<compile_context>
chip_gen: v7x
topology: tpu7x:2x2x1
jax: 0.10.2.dev20260603
libtpu: 0.0.44.dev20260713+nightly
codegen_flags: <defaults>
</compile_context>

<pallas_src>
import jax
import jax.numpy as jnp
from jax import lax
from jax.experimental import pallas as pl
from jax.experimental.pallas import tpu as pltpu
from jax.experimental.pallas import tpu_sc as plsc

_NC = 2
_NS = 16
_NW = _NC * _NS
_K = 128



def _mm_body(x_ref, w_ref, b_ref, o_ref):
    o_ref[...] = (
        jnp.dot(x_ref[...], w_ref[...], preferred_element_type=jnp.float32)
        + b_ref[...]
    )


def _matmul_bias(x, w, b, block_rows=512):
    n, d_in = x.shape
    d_out = w.shape[1]
    return pl.pallas_call(
        _mm_body,
        grid=(pl.cdiv(n, block_rows),),
        in_specs=[
            pl.BlockSpec((block_rows, d_in), lambda i: (i, 0)),
            pl.BlockSpec((d_in, d_out), lambda i: (0, 0)),
            pl.BlockSpec((1, d_out), lambda i: (0, 0)),
        ],
        out_specs=pl.BlockSpec((block_rows, d_out), lambda i: (i, 0)),
        out_shape=jax.ShapeDtypeStruct((n, d_out), jnp.float32),
    )(x, w, b.reshape(1, d_out))


def _norm_mm_body(a0_ref, a1_ref, d0_ref, d1_ref, w_ref, b_ref, o_ref):
    deg = jnp.maximum(d0_ref[...] + d1_ref[...], 1.0)
    h = jnp.maximum((a0_ref[...] + a1_ref[...]) / deg, 0.0)
    o_ref[...] = (
        jnp.dot(h, w_ref[...], preferred_element_type=jnp.float32) + b_ref[...]
    )


def _norm_relu_matmul(a0, a1, d0, d1, w, b, block_rows=512):
    n, d_in = a0.shape
    d_out = w.shape[1]
    return pl.pallas_call(
        _norm_mm_body,
        grid=(pl.cdiv(n, block_rows),),
        in_specs=[
            pl.BlockSpec((block_rows, d_in), lambda i: (i, 0)),
            pl.BlockSpec((block_rows, d_in), lambda i: (i, 0)),
            pl.BlockSpec((block_rows, 1), lambda i: (i, 0)),
            pl.BlockSpec((block_rows, 1), lambda i: (i, 0)),
            pl.BlockSpec((d_in, d_out), lambda i: (0, 0)),
            pl.BlockSpec((1, d_out), lambda i: (0, 0)),
        ],
        out_specs=pl.BlockSpec((block_rows, d_out), lambda i: (i, 0)),
        out_shape=jax.ShapeDtypeStruct((n, d_out), jnp.float32),
    )(a0, a1, d0, d1, w, b.reshape(1, d_out))


def _norm_body(a0_ref, a1_ref, d0_ref, d1_ref, o_ref):
    deg = jnp.maximum(d0_ref[...] + d1_ref[...], 1.0)
    o_ref[...] = (a0_ref[...] + a1_ref[...]) / deg


def _norm(a0, a1, d0, d1, block_rows=512):
    n, d = a0.shape
    return pl.pallas_call(
        _norm_body,
        grid=(pl.cdiv(n, block_rows),),
        in_specs=[
            pl.BlockSpec((block_rows, d), lambda i: (i, 0)),
            pl.BlockSpec((block_rows, d), lambda i: (i, 0)),
            pl.BlockSpec((block_rows, 1), lambda i: (i, 0)),
            pl.BlockSpec((block_rows, 1), lambda i: (i, 0)),
        ],
        out_specs=pl.BlockSpec((block_rows, d), lambda i: (i, 0)),
        out_shape=jax.ShapeDtypeStruct((n, d), jnp.float32),
    )(a0, a1, d0, d1)



def _sc_aggregate(h2, idx_packed, z_nd):
    _, d = h2.shape
    n_chunks = idx_packed.shape[1]
    rows_per_tile = z_nd.shape[0]
    n = rows_per_tile * _NS
    npad = n + 16
    mesh = plsc.VectorSubcoreMesh(core_axis_name="c", subcore_axis_name="s")

    out_type = [jax.ShapeDtypeStruct((_NC, _NS, rows_per_tile, d), jnp.float32)]
    scratch = [
        pltpu.VMEM_SHARED((npad, d), jnp.float32),
        pltpu.VMEM((n_chunks, 2, _K), jnp.int32),
        pltpu.VMEM((_K, d), jnp.float32),
        pltpu.SemaphoreType.DMA,
    ]

    def body(h2_ref, idx_ref, z_nd_ref, acc_out,
             acc_sh, idx_all, rows0, gsem0):
        c = lax.axis_index("c")
        s = lax.axis_index("s")
        wid = c * _NS + s
        row0 = s * rows_per_tile
        pltpu.sync_copy(z_nd_ref, acc_sh.at[pl.ds(row0, rows_per_tile)])
        pltpu.sync_copy(idx_ref.at[wid], idx_all)
        plsc.subcore_barrier()

        def chunk(j, carry):
            pltpu.async_copy(h2_ref.at[idx_all.at[j, 0]], rows0, gsem0).wait()
            pltpu.sync_copy(rows0, acc_sh.at[idx_all.at[j, 1]], add=True)
            return carry

        lax.fori_loop(0, n_chunks, chunk, 0)
        plsc.subcore_barrier()
        pltpu.sync_copy(acc_sh.at[pl.ds(row0, rows_per_tile)],
                        acc_out.at[c, s])

    f = pl.kernel(body, out_type=out_type, mesh=mesh, scratch_types=scratch)
    (acc,) = f(h2, idx_packed, z_nd)
    return acc.reshape(_NC, n, d)


def _sc_degree(idx_packed, npad, z_nd, ones_kd):
    n_chunks = idx_packed.shape[1]
    d = z_nd.shape[1]
    rows_per_tile = z_nd.shape[0]
    n = rows_per_tile * _NS
    mesh = plsc.VectorSubcoreMesh(core_axis_name="c", subcore_axis_name="s")

    out_type = [jax.ShapeDtypeStruct((_NC, _NS, rows_per_tile, d), jnp.float32)]
    scratch = [
        pltpu.VMEM_SHARED((npad, d), jnp.float32),
        pltpu.VMEM((n_chunks, 2, _K), jnp.int32),
        pltpu.VMEM((_K, d), jnp.float32),
    ]

    def body(idx_ref, z_nd_ref, ones_ref, deg_out, deg_sh, idx_all, ones_v):
        c = lax.axis_index("c")
        s = lax.axis_index("s")
        wid = c * _NS + s
        row0 = s * rows_per_tile
        pltpu.sync_copy(z_nd_ref, deg_sh.at[pl.ds(row0, rows_per_tile)])
        pltpu.sync_copy(ones_ref, ones_v)
        pltpu.sync_copy(idx_ref.at[wid], idx_all)
        plsc.subcore_barrier()

        def chunk(j, carry):
            pltpu.sync_copy(ones_v, deg_sh.at[idx_all.at[j, 1]], add=True)
            return carry

        lax.fori_loop(0, n_chunks, chunk, 0)
        plsc.subcore_barrier()
        pltpu.sync_copy(deg_sh.at[pl.ds(row0, rows_per_tile)],
                        deg_out.at[c, s])

    f = pl.kernel(body, out_type=out_type, mesh=mesh, scratch_types=scratch)
    (deg,) = f(idx_packed, z_nd, ones_kd)
    return deg.reshape(_NC, n, d)



def kernel(node_presentation, edges, W1, b1, W2, b2):
    x = node_presentation
    n, _ = x.shape
    e = edges.shape[0]
    assert n % _NS == 0
    n_chunks = -(-e // (_NW * _K))
    e_pad = _NW * n_chunks * _K
    npad = n + 16

    src = edges[:, 0].astype(jnp.int32)
    dst = edges[:, 1].astype(jnp.int32)
    if e_pad > e:
        src = jnp.concatenate([src, jnp.zeros((e_pad - e,), jnp.int32)])
        dst = jnp.concatenate([dst, jnp.full((e_pad - e,), n, jnp.int32)])
    idx_packed = jnp.stack(
        [src.reshape(_NW, n_chunks, _K), dst.reshape(_NW, n_chunks, _K)],
        axis=2)

    d_hid = W1.shape[1]
    z_nd = jnp.zeros((n // _NS, d_hid), jnp.float32)
    ones_kd = jnp.ones((_K, d_hid), jnp.float32)

    h2 = _matmul_bias(x, W1, b1)
    acc1 = _sc_aggregate(h2, idx_packed, z_nd)
    deg = _sc_degree(idx_packed, npad, z_nd, ones_kd)
    d0 = deg[0, :, :1]
    d1 = deg[1, :, :1]
    h2b = _norm_relu_matmul(acc1[0], acc1[1], d0, d1, W2, b2)
    acc2 = _sc_aggregate(h2b, idx_packed, z_nd)
    return _norm(acc2[0], acc2[1], d0, d1)

# --- scband reference (transcript-rebuilt; emitter-appended) ---
"""Pipeline reference for scband-gcn-28243704939204 (READ-ONLY COPY).

The authoritative reference and input builder live on the scoring server;
editing this copy changes nothing except your own understanding.
"""

import jax, jax.numpy as jnp
import numpy as np

N = 10000
E = 320000
D_IN = 128
D_HID = 128
D_OUT = 128


def setup_inputs(seed: int = 0) -> dict:
    key = jax.random.key(seed)
    k1, k2, k3, k4, k5, k6 = jax.random.split(key, 6)
    x = jax.random.normal(k1, (N, D_IN), dtype=jnp.float32)
    edges = jax.random.randint(k2, (E, 2), 0, N)
    # GCNLayer parameters (Glorot-style init), one layer per (in,out) pair:
    # all_dims = [128] + [128] + [128] -> two GCNLayers
    s1 = 1.0 / np.sqrt(D_IN)
    s2 = 1.0 / np.sqrt(D_HID)
    W1 = jax.random.uniform(k3, (D_IN, D_HID), dtype=jnp.float32, minval=-s1, maxval=s1)
    b1 = jax.random.uniform(k4, (D_HID,), dtype=jnp.float32, minval=-s1, maxval=s1)
    W2 = jax.random.uniform(k5, (D_HID, D_OUT), dtype=jnp.float32, minval=-s2, maxval=s2)
    b2 = jax.random.uniform(k6, (D_OUT,), dtype=jnp.float32, minval=-s2, maxval=s2)
    return {"node_presentation": x, "edges": edges, "W1": W1, "b1": b1, "W2": W2, "b2": b2}


def _gcn_layer(h, edges, W, b):
    # Linear transform, then mean aggregation of source features into destination nodes.
    h2 = h @ W + b
    src = edges[:, 0]
    dst = edges[:, 1]
    msgs = jnp.take(h2, src, axis=0)              # gather  (SparseCore)
    agg = jax.ops.segment_sum(msgs, dst, num_segments=N)   # scatter-add
    deg = jax.ops.segment_sum(jnp.ones((edges.shape[0],), dtype=h.dtype), dst, num_segments=N)
    return agg / jnp.clip(deg, 1.0)[:, None]


def reference(node_presentation, edges, W1, b1, W2, b2):
    # GCN.forward with a single shared edge list (edges is not a list):
    # hidden layers use ReLU, last layer is linear.
    h = jax.nn.relu(_gcn_layer(node_presentation, edges, W1, b1))
    out = _gcn_layer(h, edges, W2, b2)
    return out

if __name__ == "__main__":
    import jax
    _d = setup_inputs()
    print(jax.jit(kernel)(*tuple(_d.values())))

</pallas_src>

<mosaic_0001>
#map = affine_map<(d0, d1) -> (0, 0)>
#map1 = affine_map<(d0, d1) -> (0, 0, 0, 0)>
module attributes {stable_mosaic.version = 14 : i64} {
  func.func @body(%arg0: i32, %arg1: i32, %arg2: memref<10000x128xf32, #tpu.memory_space<hbm>>, %arg3: memref<32x79x2x128xi32, #tpu.memory_space<hbm>>, %arg4: memref<625x128xf32, #tpu.memory_space<hbm>>, %arg5: memref<2x16x625x128xf32, #tpu.memory_space<hbm>>, %arg6: memref<10016x128xf32, #tpu.memory_space<vmem_shared>>, %arg7: memref<79x2x128xi32, #tpu.memory_space<vmem>>, %arg8: memref<128x128xf32, #tpu.memory_space<vmem>>, %arg9: memref<!tpu.dma_semaphore, #tpu.memory_space<semaphore_mem>>) attributes {dimension_semantics = [#tpu.dimension_semantics<core_parallel>, #tpu.dimension_semantics<subcore_parallel>], iteration_bounds = array<i64: 2, 16>, scalar_prefetch = 0 : i64, scratch_operands = 4 : i64, tpu.core_type = #tpu.core_type<sc_vector_subcore>, window_params = [{transform_indices = #map}, {transform_indices = #map1}, {transform_indices = #map}, {transform_indices = #map1}]} {
    %mul3A = arith.constant 16 : i32
    %mul3A_0 = arith.muli %arg0, %mul3A : i32
    %add3A = arith.addi %mul3A_0, %arg1 : i32
    %mul3A_1 = arith.constant 625 : i32
    %mul3A_2 = arith.muli %arg1, %mul3A_1 : i32
    "tpu.region"() ({
      %run_scoped3A = tpu.sem_alloc : memref<!tpu.dma_semaphore, #tpu.memory_space<semaphore_mem>>
      %dma_start3A = arith.constant 0 : i32
      %dma_start3A_9 = tpu.memref_slice %arg6[%mul3A_2, %dma_start3A] : memref<10016x128xf32, #tpu.memory_space<vmem_shared>> -> memref<625x128xf32, #tpu.memory_space<vmem_shared>>
      tpu.enqueue_dma source(%arg4 : memref<625x128xf32, #tpu.memory_space<hbm>>) target(%dma_start3A_9 : memref<625x128xf32, #tpu.memory_space<vmem_shared>>) target_semaphore(%run_scoped3A : memref<!tpu.dma_semaphore, #tpu.memory_space<semaphore_mem>>)
      %dma_wait3A = arith.constant 0 : i32
      %dma_wait3A_10 = tpu.memref_slice %arg6[%mul3A_2, %dma_wait3A] : memref<10016x128xf32, #tpu.memory_space<vmem_shared>> -> memref<625x128xf32, #tpu.memory_space<vmem_shared>>
      tpu.wait_dma2 semaphore(%run_scoped3A : memref<!tpu.dma_semaphore, #tpu.memory_space<semaphore_mem>>) src(%arg4 : memref<625x128xf32, #tpu.memory_space<hbm>>) dst(%dma_wait3A_10 : memref<625x128xf32, #tpu.memory_space<vmem_shared>>)
      tpu.yield
    }) : () -> ()
    "tpu.region"() ({
      %run_scoped3A = tpu.sem_alloc : memref<!tpu.dma_semaphore, #tpu.memory_space<semaphore_mem>>
      %dma_start3A = arith.constant 0 : i32
      %dma_start3A_9 = arith.constant 0 : i32
      %dma_start3A_10 = arith.constant 0 : i32
      %dma_start3A_11 = tpu.memref_slice %arg3[%add3A, %dma_start3A, %dma_start3A_9, %dma_start3A_10] : memref<32x79x2x128xi32, #tpu.memory_space<hbm>> -> memref<1x79x2x128xi32, #tpu.memory_space<hbm>>
      %dma_start3A_12 = tpu.memref_squeeze %dma_start3A_11 : memref<1x79x2x128xi32, #tpu.memory_space<hbm>> -> memref<79x2x128xi32, #tpu.memory_space<hbm>>
      %dma_start3A_13 = arith.constant 0 : i32
      %dma_start3A_14 = arith.constant 0 : i32
      %dma_start3A_15 = arith.constant 0 : i32
      %dma_start3A_16 = tpu.memref_slice %arg3[%add3A, %dma_start3A_13, %dma_start3A_14, %dma_start3A_15] : memref<32x79x2x128xi32, #tpu.memory_space<hbm>> -> memref<1x79x2x128xi32, #tpu.memory_space<hbm>>
      %dma_start3A_17 = tpu.memref_squeeze %dma_start3A_16 : memref<1x79x2x128xi32, #tpu.memory_space<hbm>> -> memref<79x2x128xi32, #tpu.memory_space<hbm>>
      tpu.enqueue_dma source(%dma_start3A_17 : memref<79x2x128xi32, #tpu.memory_space<hbm>>) target(%arg7 : memref<79x2x128xi32, #tpu.memory_space<vmem>>) target_semaphore(%run_scoped3A : memref<!tpu.dma_semaphore, #tpu.memory_space<semaphore_mem>>)
      %dma_wait3A = arith.constant 0 : i32
      %dma_wait3A_18 = arith.constant 0 : i32
      %dma_wait3A_19 = arith.constant 0 : i32
      %dma_wait3A_20 = tpu.memref_slice %arg3[%add3A, %dma_wait3A, %dma_wait3A_18, %dma_wait3A_19] : memref<32x79x2x128xi32, #tpu.memory_space<hbm>> -> memref<1x79x2x128xi32, #tpu.memory_space<hbm>>
      %dma_wait3A_21 = tpu.memref_squeeze %dma_wait3A_20 : memref<1x79x2x128xi32, #tpu.memory_space<hbm>> -> memref<79x2x128xi32, #tpu.memory_space<hbm>>
      %dma_wait3A_22 = arith.constant 0 : i32
      %dma_wait3A_23 = arith.constant 0 : i32
      %dma_wait3A_24 = arith.constant 0 : i32
      %dma_wait3A_25 = tpu.memref_slice %arg3[%add3A, %dma_wait3A_22, %dma_wait3A_23, %dma_wait3A_24] : memref<32x79x2x128xi32, #tpu.memory_space<hbm>> -> memref<1x79x2x128xi32, #tpu.memory_space<hbm>>
      %dma_wait3A_26 = tpu.memref_squeeze %dma_wait3A_25 : memref<1x79x2x128xi32, #tpu.memory_space<hbm>> -> memref<79x2x128xi32, #tpu.memory_space<hbm>>
      tpu.wait_dma2 semaphore(%run_scoped3A : memref<!tpu.dma_semaphore, #tpu.memory_space<semaphore_mem>>) src(%dma_wait3A_26 : memref<79x2x128xi32, #tpu.memory_space<hbm>>) dst(%arg7 : memref<79x2x128xi32, #tpu.memory_space<vmem>>)
      tpu.yield
    }) : () -> ()
    %barrier3A = arith.constant 0 : index
    tpu.barrier barrier_id(%barrier3A)
    %scan3A = arith.constant 0 : i32
    %scan3A_3 = arith.constant 0 : i32
    %scan3A_4 = arith.constant 79 : i32
    %scan3A_5 = arith.addi %scan3A_3, %scan3A_4 : i32
    %scan3A_6 = arith.constant 1 : i32
    scf.for %scan3A_9 = %scan3A_3 to %scan3A_5 step %scan3A_6  : i32 {
      %dma_start3A = arith.constant 0 : i32
      %dma_start3A_10 = arith.constant 0 : i32
      %dma_start3A_11 = tpu.memref_slice %arg7[%scan3A_9, %dma_start3A, %dma_start3A_10] : memref<79x2x128xi32, #tpu.memory_space<vmem>> -> memref<1x1x128xi32, #tpu.memory_space<vmem>>
      %dma_start3A_12 = tpu.memref_squeeze %dma_start3A_11 : memref<1x1x128xi32, #tpu.memory_space<vmem>> -> memref<128xi32, #tpu.memory_space<vmem>>
      %dma_start3A_13 = arith.constant 0 : i32
      %dma_start3A_14 = arith.constant 0 : i32
      %dma_start3A_15 = tpu.memref_slice %arg2[%dma_start3A_13, %dma_start3A_14] : memref<10000x128xf32, #tpu.memory_space<hbm>> -> memref<10000x128xf32, #tpu.memory_space<hbm>>
      tpu.enqueue_indirect_dma source(%dma_start3A_15 : memref<10000x128xf32, #tpu.memory_space<hbm>>) target(%arg8 : memref<128x128xf32, #tpu.memory_space<vmem>>) offsets(%dma_start3A_12 : memref<128xi32, #tpu.memory_space<vmem>>) semaphore(%arg9 : memref<!tpu.dma_semaphore, #tpu.memory_space<semaphore_mem>>)
      %dma_wait3A = arith.constant 0 : i32
      %dma_wait3A_16 = arith.constant 0 : i32
      %dma_wait3A_17 = tpu.memref_slice %arg7[%scan3A_9, %dma_wait3A, %dma_wait3A_16] : memref<79x2x128xi32, #tpu.memory_space<vmem>> -> memref<1x1x128xi32, #tpu.memory_space<vmem>>
      %dma_wait3A_18 = tpu.memref_squeeze %dma_wait3A_17 : memref<1x1x128xi32, #tpu.memory_space<vmem>> -> memref<128xi32, #tpu.memory_space<vmem>>
      %dma_wait3A_19 = arith.constant 0 : i32
      %dma_wait3A_20 = arith.constant 0 : i32
      %dma_wait3A_21 = tpu.memref_slice %arg2[%dma_wait3A_19, %dma_wait3A_20] : memref<10000x128xf32, #tpu.memory_space<hbm>> -> memref<10000x128xf32, #tpu.memory_space<hbm>>
      tpu.wait_indirect_dma semaphore(%arg9 : memref<!tpu.dma_semaphore, #tpu.memory_space<semaphore_mem>>) src(%dma_wait3A_21 : memref<10000x128xf32, #tpu.memory_space<hbm>>) dst(%arg8 : memref<128x128xf32, #tpu.memory_space<vmem>>)
      %run_scoped3A = arith.constant 1 : i32
      "tpu.region"() ({
        %run_scoped3A_22 = tpu.sem_alloc : memref<!tpu.dma_semaphore, #tpu.memory_space<semaphore_mem>>
        %dma_start3A_23 = arith.constant 0 : i32
        %dma_start3A_24 = tpu.memref_slice %arg7[%scan3A_9, %run_scoped3A, %dma_start3A_23] : memref<79x2x128xi32, #tpu.memory_space<vmem>> -> memref<1x1x128xi32, #tpu.memory_space<vmem>>
        %dma_start3A_25 = tpu.memref_squeeze %dma_start3A_24 : memref<1x1x128xi32, #tpu.memory_space<vmem>> -> memref<128xi32, #tpu.memory_space<vmem>>
        %dma_start3A_26 = arith.constant 0 : i32
        %dma_start3A_27 = arith.constant 0 : i32
        %dma_start3A_28 = tpu.memref_slice %arg6[%dma_start3A_26, %dma_start3A_27] : memref<10016x128xf32, #tpu.memory_space<vmem_shared>> -> memref<10016x128xf32, #tpu.memory_space<vmem_shared>>
        tpu.enqueue_indirect_dma source(%arg8 : memref<128x128xf32, #tpu.memory_space<vmem>>) target(%dma_start3A_28 : memref<10016x128xf32, #tpu.memory_space<vmem_shared>>) offsets(%dma_start3A_25 : memref<128xi32, #tpu.memory_space<vmem>>) semaphore(%run_scoped3A_22 : memref<!tpu.dma_semaphore, #tpu.memory_space<semaphore_mem>>) {add = true}
        %dma_wait3A_29 = arith.constant 0 : i32
        %dma_wait3A_30 = tpu.memref_slice %arg7[%scan3A_9, %run_scoped3A, %dma_wait3A_29] : memref<79x2x128xi32, #tpu.memory_space<vmem>> -> memref<1x1x128xi32, #tpu.memory_space<vmem>>
        %dma_wait3A_31 = tpu.memref_squeeze %dma_wait3A_30 : memref<1x1x128xi32, #tpu.memory_space<vmem>> -> memref<128xi32, #tpu.memory_space<vmem>>
        %dma_wait3A_32 = arith.constant 0 : i32
        %dma_wait3A_33 = arith.constant 0 : i32
        %dma_wait3A_34 = tpu.memref_slice %arg6[%dma_wait3A_32, %dma_wait3A_33] : memref<10016x128xf32, #tpu.memory_space<vmem_shared>> -> memref<10016x128xf32, #tpu.memory_space<vmem_shared>>
        tpu.wait_indirect_dma semaphore(%run_scoped3A_22 : memref<!tpu.dma_semaphore, #tpu.memory_space<semaphore_mem>>) src(%arg8 : memref<128x128xf32, #tpu.memory_space<vmem>>) dst(%dma_wait3A_34 : memref<10016x128xf32, #tpu.memory_space<vmem_shared>>)
        tpu.yield
      }) : () -> ()
    }
    %scan3A_7 = arith.constant 79 : i32
    %barrier3A_8 = arith.constant 0 : index
    tpu.barrier barrier_id(%barrier3A_8)
    "tpu.region"() ({
      %run_scoped3A = tpu.sem_alloc : memref<!tpu.dma_semaphore, #tpu.memory_space<semaphore_mem>>
      %dma_start3A = arith.constant 0 : i32
      %dma_start3A_9 = arith.constant 0 : i32
      %dma_start3A_10 = tpu.memref_slice %arg5[%arg0, %arg1, %dma_start3A, %dma_start3A_9] : memref<2x16x625x128xf32, #tpu.memory_space<hbm>> -> memref<1x1x625x128xf32, #tpu.memory_space<hbm>>
      %dma_start3A_11 = tpu.memref_squeeze %dma_start3A_10 : memref<1x1x625x128xf32, #tpu.memory_space<hbm>> -> memref<625x128xf32, #tpu.memory_space<hbm>>
      %dma_start3A_12 = arith.constant 0 : i32
      %dma_start3A_13 = tpu.memref_slice %arg6[%mul3A_2, %dma_start3A_12] : memref<10016x128xf32, #tpu.memory_space<vmem_shared>> -> memref<625x128xf32, #tpu.memory_space<vmem_shared>>
      tpu.enqueue_dma source(%dma_start3A_13 : memref<625x128xf32, #tpu.memory_space<vmem_shared>>) target(%dma_start3A_11 : memref<625x128xf32, #tpu.memory_space<hbm>>) target_semaphore(%run_scoped3A : memref<!tpu.dma_semaphore, #tpu.memory_space<semaphore_mem>>)
      %dma_wait3A = arith.constant 0 : i32
      %dma_wait3A_14 = arith.constant 0 : i32
      %dma_wait3A_15 = tpu.memref_slice %arg5[%arg0, %arg1, %dma_wait3A, %dma_wait3A_14] : memref<2x16x625x128xf32, #tpu.memory_space<hbm>> -> memref<1x1x625x128xf32, #tpu.memory_space<hbm>>
      %dma_wait3A_16 = tpu.memref_squeeze %dma_wait3A_15 : memref<1x1x625x128xf32, #tpu.memory_space<hbm>> -> memref<625x128xf32, #tpu.memory_space<hbm>>
      %dma_wait3A_17 = arith.constant 0 : i32
      %dma_wait3A_18 = tpu.memref_slice %arg6[%mul3A_2, %dma_wait3A_17] : memref<10016x128xf32, #tpu.memory_space<vmem_shared>> -> memref<625x128xf32, #tpu.memory_space<vmem_shared>>
      tpu.wait_dma2 semaphore(%run_scoped3A : memref<!tpu.dma_semaphore, #tpu.memory_space<semaphore_mem>>) src(%dma_wait3A_18 : memref<625x128xf32, #tpu.memory_space<vmem_shared>>) dst(%dma_wait3A_16 : memref<625x128xf32, #tpu.memory_space<hbm>>)
      tpu.yield
    }) : () -> ()
    return
  }
}

#map = affine_map<(d0, d1) -> (0, 0)>
#map1 = affine_map<(d0, d1) -> (0, 0, 0, 0)>
module attributes {stable_mosaic.version = 14 : i64} {
  func.func @body(%arg0: i32, %arg1: i32, %arg2: memref<10000x128xf32, #tpu.memory_space<hbm>>, %arg3: memref<32x79x2x128xi32, #tpu.memory_space<hbm>>, %arg4: memref<625x128xf32, #tpu.memory_space<hbm>>, %arg5: memref<2x16x625x128xf32, #tpu.memory_space<hbm>>, %arg6: memref<10016x128xf32, #tpu.memory_space<vmem_shared>>, %arg7: memref<79x2x128xi32, #tpu.memory_space<vmem>>, %arg8: memref<128x128xf32, #tpu.memory_space<vmem>>, %arg9: memref<!tpu.dma_semaphore, #tpu.memory_space<semaphore_mem>>) attributes {dimension_semantics = [#tpu.dimension_semantics<core_parallel>, #tpu.dimension_semantics<subcore_parallel>], iteration_bounds = array<i64: 2, 16>, scalar_prefetch = 0 : i64, scratch_operands = 4 : i64, tpu.core_type = #tpu.core_type<sc_vector_subcore>, window_params = [{transform_indices = #map}, {transform_indices = #map1}, {transform_indices = #map}, {transform_indices = #map1}]} {
    %mul3A = arith.constant 16 : i32
    %mul3A_0 = arith.muli %arg0, %mul3A : i32
    %add3A = arith.addi %mul3A_0, %arg1 : i32
    %mul3A_1 = arith.constant 625 : i32
    %mul3A_2 = arith.muli %arg1, %mul3A_1 : i32
    "tpu.region"() ({
      %run_scoped3A = tpu.sem_alloc : memref<!tpu.dma_semaphore, #tpu.memory_space<semaphore_mem>>
      %dma_start3A = arith.constant 0 : i32
      %dma_start3A_9 = tpu.memref_slice %arg6[%mul3A_2, %dma_start3A] : memref<10016x128xf32, #tpu.memory_space<vmem_shared>> -> memref<625x128xf32, #tpu.memory_space<vmem_shared>>
      tpu.enqueue_dma source(%arg4 : memref<625x128xf32, #tpu.memory_space<hbm>>) target(%dma_start3A_9 : memref<625x128xf32, #tpu.memory_space<vmem_shared>>) target_semaphore(%run_scoped3A : memref<!tpu.dma_semaphore, #tpu.memory_space<semaphore_mem>>)
      %dma_wait3A = arith.constant 0 : i32
      %dma_wait3A_10 = tpu.memref_slice %arg6[%mul3A_2, %dma_wait3A] : memref<10016x128xf32, #tpu.memory_space<vmem_shared>> -> memref<625x128xf32, #tpu.memory_space<vmem_shared>>
      tpu.wait_dma2 semaphore(%run_scoped3A : memref<!tpu.dma_semaphore, #tpu.memory_space<semaphore_mem>>) src(%arg4 : memref<625x128xf32, #tpu.memory_space<hbm>>) dst(%dma_wait3A_10 : memref<625x128xf32, #tpu.memory_space<vmem_shared>>)
      tpu.yield
    }) : () -> ()
    "tpu.region"() ({
      %run_scoped3A = tpu.sem_alloc : memref<!tpu.dma_semaphore, #tpu.memory_space<semaphore_mem>>
      %dma_start3A = arith.constant 0 : i32
      %dma_start3A_9 = arith.constant 0 : i32
      %dma_start3A_10 = arith.constant 0 : i32
      %dma_start3A_11 = tpu.memref_slice %arg3[%add3A, %dma_start3A, %dma_start3A_9, %dma_start3A_10] : memref<32x79x2x128xi32, #tpu.memory_space<hbm>> -> memref<1x79x2x128xi32, #tpu.memory_space<hbm>>
      %dma_start3A_12 = tpu.memref_squeeze %dma_start3A_11 : memref<1x79x2x128xi32, #tpu.memory_space<hbm>> -> memref<79x2x128xi32, #tpu.memory_space<hbm>>
      %dma_start3A_13 = arith.constant 0 : i32
      %dma_start3A_14 = arith.constant 0 : i32
      %dma_start3A_15 = arith.constant 0 : i32
      %dma_start3A_16 = tpu.memref_slice %arg3[%add3A, %dma_start3A_13, %dma_start3A_14, %dma_start3A_15] : memref<32x79x2x128xi32, #tpu.memory_space<hbm>> -> memref<1x79x2x128xi32, #tpu.memory_space<hbm>>
      %dma_start3A_17 = tpu.memref_squeeze %dma_start3A_16 : memref<1x79x2x128xi32, #tpu.memory_space<hbm>> -> memref<79x2x128xi32, #tpu.memory_space<hbm>>
      tpu.enqueue_dma source(%dma_start3A_17 : memref<79x2x128xi32, #tpu.memory_space<hbm>>) target(%arg7 : memref<79x2x128xi32, #tpu.memory_space<vmem>>) target_semaphore(%run_scoped3A : memref<!tpu.dma_semaphore, #tpu.memory_space<semaphore_mem>>)
      %dma_wait3A = arith.constant 0 : i32
      %dma_wait3A_18 = arith.constant 0 : i32
      %dma_wait3A_19 = arith.constant 0 : i32
      %dma_wait3A_20 = tpu.memref_slice %arg3[%add3A, %dma_wait3A, %dma_wait3A_18, %dma_wait3A_19] : memref<32x79x2x128xi32, #tpu.memory_space<hbm>> -> memref<1x79x2x128xi32, #tpu.memory_space<hbm>>
      %dma_wait3A_21 = tpu.memref_squeeze %dma_wait3A_20 : memref<1x79x2x128xi32, #tpu.memory_space<hbm>> -> memref<79x2x128xi32, #tpu.memory_space<hbm>>
      %dma_wait3A_22 = arith.constant 0 : i32
      %dma_wait3A_23 = arith.constant 0 : i32
      %dma_wait3A_24 = arith.constant 0 : i32
      %dma_wait3A_25 = tpu.memref_slice %arg3[%add3A, %dma_wait3A_22, %dma_wait3A_23, %dma_wait3A_24] : memref<32x79x2x128xi32, #tpu.memory_space<hbm>> -> memref<1x79x2x128xi32, #tpu.memory_space<hbm>>
      %dma_wait3A_26 = tpu.memref_squeeze %dma_wait3A_25 : memref<1x79x2x128xi32, #tpu.memory_space<hbm>> -> memref<79x2x128xi32, #tpu.memory_space<hbm>>
      tpu.wait_dma2 semaphore(%run_scoped3A : memref<!tpu.dma_semaphore, #tpu.memory_space<semaphore_mem>>) src(%dma_wait3A_26 : memref<79x2x128xi32, #tpu.memory_space<hbm>>) dst(%arg7 : memref<79x2x128xi32, #tpu.memory_space<vmem>>)
      tpu.yield
    }) : () -> ()
    %barrier3A = arith.constant 0 : index
    tpu.barrier barrier_id(%barrier3A)
    %scan3A = arith.constant 0 : i32
    %scan3A_3 = arith.constant 0 : i32
    %scan3A_4 = arith.constant 79 : i32
    %scan3A_5 = arith.addi %scan3A_3, %scan3A_4 : i32
    %scan3A_6 = arith.constant 1 : i32
    scf.for %scan3A_9 = %scan3A_3 to %scan3A_5 step %scan3A_6  : i32 {
      %dma_start3A = arith.constant 0 : i32
      %dma_start3A_10 = arith.constant 0 : i32
      %dma_start3A_11 = tpu.memref_slice %arg7[%scan3A_9, %dma_start3A, %dma_start3A_10] : memref<79x2x128xi32, #tpu.memory_space<vmem>> -> memref<1x1x128xi32, #tpu.memory_space<vmem>>
      %dma_start3A_12 = tpu.memref_squeeze %dma_start3A_11 : memref<1x1x128xi32, #tpu.memory_space<vmem>> -> memref<128xi32, #tpu.memory_space<vmem>>
      %dma_start3A_13 = arith.constant 0 : i32
      %dma_start3A_14 = arith.constant 0 : i32
      %dma_start3A_15 = tpu.memref_slice %arg2[%dma_start3A_13, %dma_start3A_14] : memref<10000x128xf32, #tpu.memory_space<hbm>> -> memref<10000x128xf32, #tpu.memory_space<hbm>>
      tpu.enqueue_indirect_dma source(%dma_start3A_15 : memref<10000x128xf32, #tpu.memory_space<hbm>>) target(%arg8 : memref<128x128xf32, #tpu.memory_space<vmem>>) offsets(%dma_start3A_12 : memref<128xi32, #tpu.memory_space<vmem>>) semaphore(%arg9 : memref<!tpu.dma_semaphore, #tpu.memory_space<semaphore_mem>>)
      %dma_wait3A = arith.constant 0 : i32
      %dma_wait3A_16 = arith.constant 0 : i32
      %dma_wait3A_17 = tpu.memref_slice %arg7[%scan3A_9, %dma_wait3A, %dma_wait3A_16] : memref<79x2x128xi32, #tpu.memory_space<vmem>> -> memref<1x1x128xi32, #tpu.memory_space<vmem>>
      %dma_wait3A_18 = tpu.memref_squeeze %dma_wait3A_17 : memref<1x1x128xi32, #tpu.memory_space<vmem>> -> memref<128xi32, #tpu.memory_space<vmem>>
      %dma_wait3A_19 = arith.constant 0 : i32
      %dma_wait3A_20 = arith.constant 0 : i32
      %dma_wait3A_21 = tpu.memref_slice %arg2[%dma_wait3A_19, %dma_wait3A_20] : memref<10000x128xf32, #tpu.memory_space<hbm>> -> memref<10000x128xf32, #tpu.memory_space<hbm>>
      tpu.wait_indirect_dma semaphore(%arg9 : memref<!tpu.dma_semaphore, #tpu.memory_space<semaphore_mem>>) src(%dma_wait3A_21 : memref<10000x128xf32, #tpu.memory_space<hbm>>) dst(%arg8 : memref<128x128xf32, #tpu.memory_space<vmem>>)
      %run_scoped3A = arith.constant 1 : i32
      "tpu.region"() ({
        %run_scoped3A_22 = tpu.sem_alloc : memref<!tpu.dma_semaphore, #tpu.memory_space<semaphore_mem>>
        %dma_start3A_23 = arith.constant 0 : i32
        %dma_start3A_24 = tpu.memref_slice %arg7[%scan3A_9, %run_scoped3A, %dma_start3A_23] : memref<79x2x128xi32, #tpu.memory_space<vmem>> -> memref<1x1x128xi32, #tpu.memory_space<vmem>>
        %dma_start3A_25 = tpu.memref_squeeze %dma_start3A_24 : memref<1x1x128xi32, #tpu.memory_space<vmem>> -> memref<128xi32, #tpu.memory_space<vmem>>
        %dma_start3A_26 = arith.constant 0 : i32
        %dma_start3A_27 = arith.constant 0 : i32
        %dma_start3A_28 = tpu.memref_slice %arg6[%dma_start3A_26, %dma_start3A_27] : memref<10016x128xf32, #tpu.memory_space<vmem_shared>> -> memref<10016x128xf32, #tpu.memory_space<vmem_shared>>
        tpu.enqueue_indirect_dma source(%arg8 : memref<128x128xf32, #tpu.memory_space<vmem>>) target(%dma_start3A_28 : memref<10016x128xf32, #tpu.memory_space<vmem_shared>>) offsets(%dma_start3A_25 : memref<128xi32, #tpu.memory_space<vmem>>) semaphore(%run_scoped3A_22 : memref<!tpu.dma_semaphore, #tpu.memory_space<semaphore_mem>>) {add = true}
        %dma_wait3A_29 = arith.constant 0 : i32
        %dma_wait3A_30 = tpu.memref_slice %arg7[%scan3A_9, %run_scoped3A, %dma_wait3A_29] : memref<79x2x128xi32, #tpu.memory_space<vmem>> -> memref<1x1x128xi32, #tpu.memory_space<vmem>>
        %dma_wait3A_31 = tpu.memref_squeeze %dma_wait3A_30 : memref<1x1x128xi32, #tpu.memory_space<vmem>> -> memref<128xi32, #tpu.memory_space<vmem>>
        %dma_wait3A_32 = arith.constant 0 : i32
        %dma_wait3A_33 = arith.constant 0 : i32
        %dma_wait3A_34 = tpu.memref_slice %arg6[%dma_wait3A_32, %dma_wait3A_33] : memref<10016x128xf32, #tpu.memory_space<vmem_shared>> -> memref<10016x128xf32, #tpu.memory_space<vmem_shared>>
        tpu.wait_indirect_dma semaphore(%run_scoped3A_22 : memref<!tpu.dma_semaphore, #tpu.memory_space<semaphore_mem>>) src(%arg8 : memref<128x128xf32, #tpu.memory_space<vmem>>) dst(%dma_wait3A_34 : memref<10016x128xf32, #tpu.memory_space<vmem_shared>>)
        tpu.yield
      }) : () -> ()
    }
    %scan3A_7 = arith.constant 79 : i32
    %barrier3A_8 = arith.constant 0 : index
    tpu.barrier barrier_id(%barrier3A_8)
    "tpu.region"() ({
      %run_scoped3A = tpu.sem_alloc : memref<!tpu.dma_semaphore, #tpu.memory_space<semaphore_mem>>
      %dma_start3A = arith.constant 0 : i32
      %dma_start3A_9 = arith.constant 0 : i32
      %dma_start3A_10 = tpu.memref_slice %arg5[%arg0, %arg1, %dma_start3A, %dma_start3A_9] : memref<2x16x625x128xf32, #tpu.memory_space<hbm>> -> memref<1x1x625x128xf32, #tpu.memory_space<hbm>>
      %dma_start3A_11 = tpu.memref_squeeze %dma_start3A_10 : memref<1x1x625x128xf32, #tpu.memory_space<hbm>> -> memref<625x128xf32, #tpu.memory_space<hbm>>
      %dma_start3A_12 = arith.constant 0 : i32
      %dma_start3A_13 = tpu.memref_slice %arg6[%mul3A_2, %dma_start3A_12] : memref<10016x128xf32, #tpu.memory_space<vmem_shared>> -> memref<625x128xf32, #tpu.memory_space<vmem_shared>>
      tpu.enqueue_dma source(%dma_start3A_13 : memref<625x128xf32, #tpu.memory_space<vmem_shared>>) target(%dma_start3A_11 : memref<625x128xf32, #tpu.memory_space<hbm>>) target_semaphore(%run_scoped3A : memref<!tpu.dma_semaphore, #tpu.memory_space<semaphore_mem>>)
      %dma_wait3A = arith.constant 0 : i32
      %dma_wait3A_14 = arith.constant 0 : i32
      %dma_wait3A_15 = tpu.memref_slice %arg5[%arg0, %arg1, %dma_wait3A, %dma_wait3A_14] : memref<2x16x625x128xf32, #tpu.memory_space<hbm>> -> memref<1x1x625x128xf32, #tpu.memory_space<hbm>>
      %dma_wait3A_16 = tpu.memref_squeeze %dma_wait3A_15 : memref<1x1x625x128xf32, #tpu.memory_space<hbm>> -> memref<625x128xf32, #tpu.memory_space<hbm>>
      %dma_wait3A_17 = arith.constant 0 : i32
      %dma_wait3A_18 = tpu.memref_slice %arg6[%mul3A_2, %dma_wait3A_17] : memref<10016x128xf32, #tpu.memory_space<vmem_shared>> -> memref<625x128xf32, #tpu.memory_space<vmem_shared>>
      tpu.wait_dma2 semaphore(%run_scoped3A : memref<!tpu.dma_semaphore, #tpu.memory_space<semaphore_mem>>) src(%dma_wait3A_18 : memref<625x128xf32, #tpu.memory_space<vmem_shared>>) dst(%dma_wait3A_16 : memref<625x128xf32, #tpu.memory_space<hbm>>)
      tpu.yield
    }) : () -> ()
    return
  }
}

#map = affine_map<(d0, d1) -> (0, 0, 0, 0)>
#map1 = affine_map<(d0, d1) -> (0, 0)>
module attributes {stable_mosaic.version = 14 : i64} {
  func.func @body(%arg0: i32, %arg1: i32, %arg2: memref<32x79x2x128xi32, #tpu.memory_space<hbm>>, %arg3: memref<625x128xf32, #tpu.memory_space<hbm>>, %arg4: memref<128x128xf32, #tpu.memory_space<hbm>>, %arg5: memref<2x16x625x128xf32, #tpu.memory_space<hbm>>, %arg6: memref<10016x128xf32, #tpu.memory_space<vmem_shared>>, %arg7: memref<79x2x128xi32, #tpu.memory_space<vmem>>, %arg8: memref<128x128xf32, #tpu.memory_space<vmem>>) attributes {dimension_semantics = [#tpu.dimension_semantics<core_parallel>, #tpu.dimension_semantics<subcore_parallel>], iteration_bounds = array<i64: 2, 16>, scalar_prefetch = 0 : i64, scratch_operands = 3 : i64, tpu.core_type = #tpu.core_type<sc_vector_subcore>, window_params = [{transform_indices = #map}, {transform_indices = #map1}, {transform_indices = #map1}, {transform_indices = #map}]} {
    %mul3A = arith.constant 16 : i32
    %mul3A_0 = arith.muli %arg0, %mul3A : i32
    %add3A = arith.addi %mul3A_0, %arg1 : i32
    %mul3A_1 = arith.constant 625 : i32
    %mul3A_2 = arith.muli %arg1, %mul3A_1 : i32
    "tpu.region"() ({
      %run_scoped3A = tpu.sem_alloc : memref<!tpu.dma_semaphore, #tpu.memory_space<semaphore_mem>>
      %dma_start3A = arith.constant 0 : i32
      %dma_start3A_9 = tpu.memref_slice %arg6[%mul3A_2, %dma_start3A] : memref<10016x128xf32, #tpu.memory_space<vmem_shared>> -> memref<625x128xf32, #tpu.memory_space<vmem_shared>>
      tpu.enqueue_dma source(%arg3 : memref<625x128xf32, #tpu.memory_space<hbm>>) target(%dma_start3A_9 : memref<625x128xf32, #tpu.memory_space<vmem_shared>>) target_semaphore(%run_scoped3A : memref<!tpu.dma_semaphore, #tpu.memory_space<semaphore_mem>>)
      %dma_wait3A = arith.constant 0 : i32
      %dma_wait3A_10 = tpu.memref_slice %arg6[%mul3A_2, %dma_wait3A] : memref<10016x128xf32, #tpu.memory_space<vmem_shared>> -> memref<625x128xf32, #tpu.memory_space<vmem_shared>>
      tpu.wait_dma2 semaphore(%run_scoped3A : memref<!tpu.dma_semaphore, #tpu.memory_space<semaphore_mem>>) src(%arg3 : memref<625x128xf32, #tpu.memory_space<hbm>>) dst(%dma_wait3A_10 : memref<625x128xf32, #tpu.memory_space<vmem_shared>>)
      tpu.yield
    }) : () -> ()
    "tpu.region"() ({
      %run_scoped3A = tpu.sem_alloc : memref<!tpu.dma_semaphore, #tpu.memory_space<semaphore_mem>>
      tpu.enqueue_dma source(%arg4 : memref<128x128xf32, #tpu.memory_space<hbm>>) target(%arg8 : memref<128x128xf32, #tpu.memory_space<vmem>>) target_semaphore(%run_scoped3A : memref<!tpu.dma_semaphore, #tpu.memory_space<semaphore_mem>>)
      tpu.wait_dma2 semaphore(%run_scoped3A : memref<!tpu.dma_semaphore, #tpu.memory_space<semaphore_mem>>) src(%arg4 : memref<128x128xf32, #tpu.memory_space<hbm>>) dst(%arg8 : memref<128x128xf32, #tpu.memory_space<vmem>>)
      tpu.yield
    }) : () -> ()
    "tpu.region"() ({
      %run_scoped3A = tpu.sem_alloc : memref<!tpu.dma_semaphore, #tpu.memory_space<semaphore_mem>>
      %dma_start3A = arith.constant 0 : i32
      %dma_start3A_9 = arith.constant 0 : i32
      %dma_start3A_10 = arith.constant 0 : i32
      %dma_start3A_11 = tpu.memref_slice %arg2[%add3A, %dma_start3A, %dma_start3A_9, %dma_start3A_10] : memref<32x79x2x128xi32, #tpu.memory_space<hbm>> -> memref<1x79x2x128xi32, #tpu.memory_space<hbm>>
      %dma_start3A_12 = tpu.memref_squeeze %dma_start3A_11 : memref<1x79x2x128xi32, #tpu.memory_space<hbm>> -> memref<79x2x128xi32, #tpu.memory_space<hbm>>
      %dma_start3A_13 = arith.constant 0 : i32
      %dma_start3A_14 = arith.constant 0 : i32
      %dma_start3A_15 = arith.constant 0 : i32
      %dma_start3A_16 = tpu.memref_slice %arg2[%add3A, %dma_start3A_13, %dma_start3A_14, %dma_start3A_15] : memref<32x79x2x128xi32, #tpu.memory_space<hbm>> -> memref<1x79x2x128xi32, #tpu.memory_space<hbm>>
      %dma_start3A_17 = tpu.memref_squeeze %dma_start3A_16 : memref<1x79x2x128xi32, #tpu.memory_space<hbm>> -> memref<79x2x128xi32, #tpu.memory_space<hbm>>
      tpu.enqueue_dma source(%dma_start3A_17 : memref<79x2x128xi32, #tpu.memory_space<hbm>>) target(%arg7 : memref<79x2x128xi32, #tpu.memory_space<vmem>>) target_semaphore(%run_scoped3A : memref<!tpu.dma_semaphore, #tpu.memory_space<semaphore_mem>>)
      %dma_wait3A = arith.constant 0 : i32
      %dma_wait3A_18 = arith.constant 0 : i32
      %dma_wait3A_19 = arith.constant 0 : i32
      %dma_wait3A_20 = tpu.memref_slice %arg2[%add3A, %dma_wait3A, %dma_wait3A_18, %dma_wait3A_19] : memref<32x79x2x128xi32, #tpu.memory_space<hbm>> -> memref<1x79x2x128xi32, #tpu.memory_space<hbm>>
      %dma_wait3A_21 = tpu.memref_squeeze %dma_wait3A_20 : memref<1x79x2x128xi32, #tpu.memory_space<hbm>> -> memref<79x2x128xi32, #tpu.memory_space<hbm>>
      %dma_wait3A_22 = arith.constant 0 : i32
      %dma_wait3A_23 = arith.constant 0 : i32
      %dma_wait3A_24 = arith.constant 0 : i32
      %dma_wait3A_25 = tpu.memref_slice %arg2[%add3A, %dma_wait3A_22, %dma_wait3A_23, %dma_wait3A_24] : memref<32x79x2x128xi32, #tpu.memory_space<hbm>> -> memref<1x79x2x128xi32, #tpu.memory_space<hbm>>
      %dma_wait3A_26 = tpu.memref_squeeze %dma_wait3A_25 : memref<1x79x2x128xi32, #tpu.memory_space<hbm>> -> memref<79x2x128xi32, #tpu.memory_space<hbm>>
      tpu.wait_dma2 semaphore(%run_scoped3A : memref<!tpu.dma_semaphore, #tpu.memory_space<semaphore_mem>>) src(%dma_wait3A_26 : memref<79x2x128xi32, #tpu.memory_space<hbm>>) dst(%arg7 : memref<79x2x128xi32, #tpu.memory_space<vmem>>)
      tpu.yield
    }) : () -> ()
    %barrier3A = arith.constant 0 : index
    tpu.barrier barrier_id(%barrier3A)
    %scan3A = arith.constant 0 : i32
    %scan3A_3 = arith.constant 0 : i32
    %scan3A_4 = arith.constant 79 : i32
    %scan3A_5 = arith.addi %scan3A_3, %scan3A_4 : i32
    %scan3A_6 = arith.constant 1 : i32
    scf.for %scan3A_9 = %scan3A_3 to %scan3A_5 step %scan3A_6  : i32 {
      %run_scoped3A = arith.constant 1 : i32
      "tpu.region"() ({
        %run_scoped3A_10 = tpu.sem_alloc : memref<!tpu.dma_semaphore, #tpu.memory_space<semaphore_mem>>
        %dma_start3A = arith.constant 0 : i32
        %dma_start3A_11 = tpu.memref_slice %arg7[%scan3A_9, %run_scoped3A, %dma_start3A] : memref<79x2x128xi32, #tpu.memory_space<vmem>> -> memref<1x1x128xi32, #tpu.memory_space<vmem>>
        %dma_start3A_12 = tpu.memref_squeeze %dma_start3A_11 : memref<1x1x128xi32, #tpu.memory_space<vmem>> -> memref<128xi32, #tpu.memory_space<vmem>>
        %dma_start3A_13 = arith.constant 0 : i32
        %dma_start3A_14 = arith.constant 0 : i32
        %dma_start3A_15 = tpu.memref_slice %arg6[%dma_start3A_13, %dma_start3A_14] : memref<10016x128xf32, #tpu.memory_space<vmem_shared>> -> memref<10016x128xf32, #tpu.memory_space<vmem_shared>>
        tpu.enqueue_indirect_dma source(%arg8 : memref<128x128xf32, #tpu.memory_space<vmem>>) target(%dma_start3A_15 : memref<10016x128xf32, #tpu.memory_space<vmem_shared>>) offsets(%dma_start3A_12 : memref<128xi32, #tpu.memory_space<vmem>>) semaphore(%run_scoped3A_10 : memref<!tpu.dma_semaphore, #tpu.memory_space<semaphore_mem>>) {add = true}
        %dma_wait3A = arith.constant 0 : i32
        %dma_wait3A_16 = tpu.memref_slice %arg7[%scan3A_9, %run_scoped3A, %dma_wait3A] : memref<79x2x128xi32, #tpu.memory_space<vmem>> -> memref<1x1x128xi32, #tpu.memory_space<vmem>>
        %dma_wait3A_17 = tpu.memref_squeeze %dma_wait3A_16 : memref<1x1x128xi32, #tpu.memory_space<vmem>> -> memref<128xi32, #tpu.memory_space<vmem>>
        %dma_wait3A_18 = arith.constant 0 : i32
        %dma_wait3A_19 = arith.constant 0 : i32
        %dma_wait3A_20 = tpu.memref_slice %arg6[%dma_wait3A_18, %dma_wait3A_19] : memref<10016x128xf32, #tpu.memory_space<vmem_shared>> -> memref<10016x128xf32, #tpu.memory_space<vmem_shared>>
        tpu.wait_indirect_dma semaphore(%run_scoped3A_10 : memref<!tpu.dma_semaphore, #tpu.memory_space<semaphore_mem>>) src(%arg8 : memref<128x128xf32, #tpu.memory_space<vmem>>) dst(%dma_wait3A_20 : memref<10016x128xf32, #tpu.memory_space<vmem_shared>>)
        tpu.yield
      }) : () -> ()
    }
    %scan3A_7 = arith.constant 79 : i32
    %barrier3A_8 = arith.constant 0 : index
    tpu.barrier barrier_id(%barrier3A_8)
    "tpu.region"() ({
      %run_scoped3A = tpu.sem_alloc : memref<!tpu.dma_semaphore, #tpu.memory_space<semaphore_mem>>
      %dma_start3A = arith.constant 0 : i32
      %dma_start3A_9 = arith.constant 0 : i32
      %dma_start3A_10 = tpu.memref_slice %arg5[%arg0, %arg1, %dma_start3A, %dma_start3A_9] : memref<2x16x625x128xf32, #tpu.memory_space<hbm>> -> memref<1x1x625x128xf32, #tpu.memory_space<hbm>>
      %dma_start3A_11 = tpu.memref_squeeze %dma_start3A_10 : memref<1x1x625x128xf32, #tpu.memory_space<hbm>> -> memref<625x128xf32, #tpu.memory_space<hbm>>
      %dma_start3A_12 = arith.constant 0 : i32
      %dma_start3A_13 = tpu.memref_slice %arg6[%mul3A_2, %dma_start3A_12] : memref<10016x128xf32, #tpu.memory_space<vmem_shared>> -> memref<625x128xf32, #tpu.memory_space<vmem_shared>>
      tpu.enqueue_dma source(%dma_start3A_13 : memref<625x128xf32, #tpu.memory_space<vmem_shared>>) target(%dma_start3A_11 : memref<625x128xf32, #tpu.memory_space<hbm>>) target_semaphore(%run_scoped3A : memref<!tpu.dma_semaphore, #tpu.memory_space<semaphore_mem>>)
      %dma_wait3A = arith.constant 0 : i32
      %dma_wait3A_14 = arith.constant 0 : i32
      %dma_wait3A_15 = tpu.memref_slice %arg5[%arg0, %arg1, %dma_wait3A, %dma_wait3A_14] : memref<2x16x625x128xf32, #tpu.memory_space<hbm>> -> memref<1x1x625x128xf32, #tpu.memory_space<hbm>>
      %dma_wait3A_16 = tpu.memref_squeeze %dma_wait3A_15 : memref<1x1x625x128xf32, #tpu.memory_space<hbm>> -> memref<625x128xf32, #tpu.memory_space<hbm>>
      %dma_wait3A_17 = arith.constant 0 : i32
      %dma_wait3A_18 = tpu.memref_slice %arg6[%mul3A_2, %dma_wait3A_17] : memref<10016x128xf32, #tpu.memory_space<vmem_shared>> -> memref<625x128xf32, #tpu.memory_space<vmem_shared>>
      tpu.wait_dma2 semaphore(%run_scoped3A : memref<!tpu.dma_semaphore, #tpu.memory_space<semaphore_mem>>) src(%dma_wait3A_18 : memref<625x128xf32, #tpu.memory_space<vmem_shared>>) dst(%dma_wait3A_16 : memref<625x128xf32, #tpu.memory_space<hbm>>)
      tpu.yield
    }) : () -> ()
    return
  }
}

module attributes {stable_mosaic.version = 14 : i64} {
  func.func @_mm_body(%arg0: i32, %arg1: memref<512x128xf32, #tpu.memory_space<vmem>>, %arg2: memref<128x128xf32, #tpu.memory_space<vmem>>, %arg3: memref<1x128xf32, #tpu.memory_space<vmem>>, %arg4: memref<512x128xf32, #tpu.memory_space<vmem>>) attributes {dimension_semantics = [#tpu.dimension_semantics<arbitrary>], iteration_bounds = array<i64: 20>, scalar_prefetch = 0 : i64, scratch_operands = 0 : i64, tpu.core_type = #tpu.core_type<tc>, window_params = [{transform_indices = @transform_0, window_bounds = array<i64: 512, 128>}, {pipeline_mode = #tpu.pipeline_mode<synchronous>, transform_indices = @transform_1, window_bounds = array<i64: 128, 128>}, {pipeline_mode = #tpu.pipeline_mode<synchronous>, transform_indices = @transform_2, window_bounds = array<i64: 1, 128>}, {transform_indices = @transform_3, window_bounds = array<i64: 512, 128>}]} {
    %get3A = arith.constant 0 : index
    %get3A_0 = arith.constant 0 : index
    %get3A_1 = vector.load %arg1[%get3A, %get3A_0] : memref<512x128xf32, #tpu.memory_space<vmem>>, vector<512x128xf32>
    %get3A_2 = arith.constant 0 : index
    %get3A_3 = arith.constant 0 : index
    %get3A_4 = vector.load %arg2[%get3A_2, %get3A_3] : memref<128x128xf32, #tpu.memory_space<vmem>>, vector<128x128xf32>
    %dot_general3A = arith.constant dense<0.000000e+00> : vector<512x128xf32>
    %dot_general3A_5 = tpu.matmul %get3A_1, %get3A_4, %dot_general3A {dimension_numbers = #tpu.dot_dimension_numbers<[1], [0], [0], [1], [0, 0, 1, 1], [], []>, transpose_lhs_hint = false} : vector<512x128xf32>, vector<128x128xf32>, vector<512x128xf32> -> vector<512x128xf32>
    %get3A_6 = arith.constant 0 : index
    %get3A_7 = arith.constant 0 : index
    %get3A_8 = vector.load %arg3[%get3A_6, %get3A_7] : memref<1x128xf32, #tpu.memory_space<vmem>>, vector<1x128xf32>
    %add3A = vector.broadcast %get3A_8 : vector<1x128xf32> to vector<512x128xf32>
    %add3A_9 = arith.addf %dot_general3A_5, %add3A : vector<512x128xf32>
    %swap3A = arith.constant 0 : index
    %swap3A_10 = arith.constant 0 : index
    %swap3A_11 = vector.load %arg4[%swap3A, %swap3A_10] : memref<512x128xf32, #tpu.memory_space<vmem>>, vector<512x128xf32>
    tpu.vector_store %arg4[%swap3A, %swap3A_10], %add3A_9 {strides = array<i32>} : memref<512x128xf32, #tpu.memory_space<vmem>>, vector<512x128xf32>,
    return
  }
  func.func @transform_0(%arg0: i32) -> (i32, i32) {
    %c0_i32 = arith.constant 0 : i32
    %c0_i32_0 = arith.constant 0 : i32
    return %arg0, %c0_i32 : i32, i32
  }
  func.func @transform_1(%arg0: i32) -> (i32, i32) {
    %c0_i32 = arith.constant 0 : i32
    %c0_i32_0 = arith.constant 0 : i32
    %c0_i32_1 = arith.constant 0 : i32
    return %c0_i32, %c0_i32_0 : i32, i32
  }
  func.func @transform_2(%arg0: i32) -> (i32, i32) {
    %c0_i32 = arith.constant 0 : i32
    %c0_i32_0 = arith.constant 0 : i32
    %c0_i32_1 = arith.constant 0 : i32
    return %c0_i32, %c0_i32_0 : i32, i32
  }
  func.func @transform_3(%arg0: i32) -> (i32, i32) {
    %c0_i32 = arith.constant 0 : i32
    %c0_i32_0 = arith.constant 0 : i32
    return %arg0, %c0_i32 : i32, i32
  }
}

module attributes {stable_mosaic.version = 14 : i64} {
  func.func @_norm_mm_body(%arg0: i32, %arg1: memref<512x128xf32, #tpu.memory_space<vmem>>, %arg2: memref<512x128xf32, #tpu.memory_space<vmem>>, %arg3: memref<512x1xf32, #tpu.memory_space<vmem>>, %arg4: memref<512x1xf32, #tpu.memory_space<vmem>>, %arg5: memref<128x128xf32, #tpu.memory_space<vmem>>, %arg6: memref<1x128xf32, #tpu.memory_space<vmem>>, %arg7: memref<512x128xf32, #tpu.memory_space<vmem>>) attributes {dimension_semantics = [#tpu.dimension_semantics<arbitrary>], iteration_bounds = array<i64: 20>, scalar_prefetch = 0 : i64, scratch_operands = 0 : i64, tpu.core_type = #tpu.core_type<tc>, window_params = [{transform_indices = @transform_0, window_bounds = array<i64: 512, 128>}, {transform_indices = @transform_1, window_bounds = array<i64: 512, 128>}, {transform_indices = @transform_2, window_bounds = array<i64: 512, 1>}, {transform_indices = @transform_3, window_bounds = array<i64: 512, 1>}, {pipeline_mode = #tpu.pipeline_mode<synchronous>, transform_indices = @transform_4, window_bounds = array<i64: 128, 128>}, {pipeline_mode = #tpu.pipeline_mode<synchronous>, transform_indices = @transform_5, window_bounds = array<i64: 1, 128>}, {transform_indices = @transform_6, window_bounds = array<i64: 512, 128>}]} {
    %get3A = arith.constant 0 : index
    %get3A_0 = arith.constant 0 : index
    %get3A_1 = vector.load %arg3[%get3A, %get3A_0] : memref<512x1xf32, #tpu.memory_space<vmem>>, vector<512x1xf32>
    %get3A_2 = arith.constant 0 : index
    %get3A_3 = arith.constant 0 : index
    %get3A_4 = vector.load %arg4[%get3A_2, %get3A_3] : memref<512x1xf32, #tpu.memory_space<vmem>>, vector<512x1xf32>
    %add3A = arith.addf %get3A_1, %get3A_4 : vector<512x1xf32>
    %max3A = arith.constant 1.000000e+00 : f32
    %max3A_5 = vector.broadcast %max3A : f32 to vector<512x1xf32>
    %max3A_6 = arith.maximumf %add3A, %max3A_5 : vector<512x1xf32>
    %get3A_7 = arith.constant 0 : index
    %get3A_8 = arith.constant 0 : index
    %get3A_9 = vector.load %arg1[%get3A_7, %get3A_8] : memref<512x128xf32, #tpu.memory_space<vmem>>, vector<512x128xf32>
    %get3A_10 = arith.constant 0 : index
    %get3A_11 = arith.constant 0 : index
    %get3A_12 = vector.load %arg2[%get3A_10, %get3A_11] : memref<512x128xf32, #tpu.memory_space<vmem>>, vector<512x128xf32>
    %add3A_13 = arith.addf %get3A_9, %get3A_12 : vector<512x128xf32>
    %div3A = vector.broadcast %max3A_6 : vector<512x1xf32> to vector<512x128xf32>
    %div3A_14 = arith.divf %add3A_13, %div3A : vector<512x128xf32>
    %max3A_15 = arith.constant 0.000000e+00 : f32
    %max3A_16 = vector.broadcast %max3A_15 : f32 to vector<512x128xf32>
    %max3A_17 = arith.maximumf %div3A_14, %max3A_16 : vector<512x128xf32>
    %get3A_18 = arith.constant 0 : index
    %get3A_19 = arith.constant 0 : index
    %get3A_20 = vector.load %arg5[%get3A_18, %get3A_19] : memref<128x128xf32, #tpu.memory_space<vmem>>, vector<128x128xf32>
    %dot_general3A = arith.constant dense<0.000000e+00> : vector<512x128xf32>
    %dot_general3A_21 = tpu.matmul %max3A_17, %get3A_20, %dot_general3A {dimension_numbers = #tpu.dot_dimension_numbers<[1], [0], [0], [1], [0, 0, 1, 1], [], []>, transpose_lhs_hint = false} : vector<512x128xf32>, vector<128x128xf32>, vector<512x128xf32> -> vector<512x128xf32>
    %get3A_22 = arith.constant 0 : index
    %get3A_23 = arith.constant 0 : index
    %get3A_24 = vector.load %arg6[%get3A_22, %get3A_23] : memref<1x128xf32, #tpu.memory_space<vmem>>, vector<1x128xf32>
    %add3A_25 = vector.broadcast %get3A_24 : vector<1x128xf32> to vector<512x128xf32>
    %add3A_26 = arith.addf %dot_general3A_21, %add3A_25 : vector<512x128xf32>
    %swap3A = arith.constant 0 : index
    %swap3A_27 = arith.constant 0 : index
    %swap3A_28 = vector.load %arg7[%swap3A, %swap3A_27] : memref<512x128xf32, #tpu.memory_space<vmem>>, vector<512x128xf32>
    tpu.vector_store %arg7[%swap3A, %swap3A_27], %add3A_26 {strides = array<i32>} : memref<512x128xf32, #tpu.memory_space<vmem>>, vector<512x128xf32>,
    return
  }
  func.func @transform_0(%arg0: i32) -> (i32, i32) {
    %c0_i32 = arith.constant 0 : i32
    %c0_i32_0 = arith.constant 0 : i32
    return %arg0, %c0_i32 : i32, i32
  }
  func.func @transform_1(%arg0: i32) -> (i32, i32) {
    %c0_i32 = arith.constant 0 : i32
    %c0_i32_0 = arith.constant 0 : i32
    return %arg0, %c0_i32 : i32, i32
  }
  func.func @transform_2(%arg0: i32) -> (i32, i32) {
    %c0_i32 = arith.constant 0 : i32
    %c0_i32_0 = arith.constant 0 : i32
    return %arg0, %c0_i32 : i32, i32
  }
  func.func @transform_3(%arg0: i32) -> (i32, i32) {
    %c0_i32 = arith.constant 0 : i32
    %c0_i32_0 = arith.constant 0 : i32
    return %arg0, %c0_i32 : i32, i32
  }
  func.func @transform_4(%arg0: i32) -> (i32, i32) {
    %c0_i32 = arith.constant 0 : i32
    %c0_i32_0 = arith.constant 0 : i32
    %c0_i32_1 = arith.constant 0 : i32
    return %c0_i32, %c0_i32_0 : i32, i32
  }
  func.func @transform_5(%arg0: i32) -> (i32, i32) {
    %c0_i32 = arith.constant 0 : i32
    %c0_i32_0 = arith.constant 0 : i32
    %c0_i32_1 = arith.constant 0 : i32
    return %c0_i32, %c0_i32_0 : i32, i32
  }
  func.func @transform_6(%arg0: i32) -> (i32, i32) {
    %c0_i32 = arith.constant 0 : i32
    %c0_i32_0 = arith.constant 0 : i32
    return %arg0, %c0_i32 : i32, i32
  }
}

module attributes {stable_mosaic.version = 14 : i64} {
  func.func @_norm_body(%arg0: i32, %arg1: memref<512x128xf32, #tpu.memory_space<vmem>>, %arg2: memref<512x128xf32, #tpu.memory_space<vmem>>, %arg3: memref<512x1xf32, #tpu.memory_space<vmem>>, %arg4: memref<512x1xf32, #tpu.memory_space<vmem>>, %arg5: memref<512x128xf32, #tpu.memory_space<vmem>>) attributes {dimension_semantics = [#tpu.dimension_semantics<arbitrary>], iteration_bounds = array<i64: 20>, scalar_prefetch = 0 : i64, scratch_operands = 0 : i64, tpu.core_type = #tpu.core_type<tc>, window_params = [{transform_indices = @transform_0, window_bounds = array<i64: 512, 128>}, {transform_indices = @transform_1, window_bounds = array<i64: 512, 128>}, {transform_indices = @transform_2, window_bounds = array<i64: 512, 1>}, {transform_indices = @transform_3, window_bounds = array<i64: 512, 1>}, {transform_indices = @transform_4, window_bounds = array<i64: 512, 128>}]} {
    %get3A = arith.constant 0 : index
    %get3A_0 = arith.constant 0 : index
    %get3A_1 = vector.load %arg3[%get3A, %get3A_0] : memref<512x1xf32, #tpu.memory_space<vmem>>, vector<512x1xf32>
    %get3A_2 = arith.constant 0 : index
    %get3A_3 = arith.constant 0 : index
    %get3A_4 = vector.load %arg4[%get3A_2, %get3A_3] : memref<512x1xf32, #tpu.memory_space<vmem>>, vector<512x1xf32>
    %add3A = arith.addf %get3A_1, %get3A_4 : vector<512x1xf32>
    %max3A = arith.constant 1.000000e+00 : f32
    %max3A_5 = vector.broadcast %max3A : f32 to vector<512x1xf32>
    %max3A_6 = arith.maximumf %add3A, %max3A_5 : vector<512x1xf32>
    %get3A_7 = arith.constant 0 : index
    %get3A_8 = arith.constant 0 : index
    %get3A_9 = vector.load %arg1[%get3A_7, %get3A_8] : memref<512x128xf32, #tpu.memory_space<vmem>>, vector<512x128xf32>
    %get3A_10 = arith.constant 0 : index
    %get3A_11 = arith.constant 0 : index
    %get3A_12 = vector.load %arg2[%get3A_10, %get3A_11] : memref<512x128xf32, #tpu.memory_space<vmem>>, vector<512x128xf32>
    %add3A_13 = arith.addf %get3A_9, %get3A_12 : vector<512x128xf32>
    %div3A = vector.broadcast %max3A_6 : vector<512x1xf32> to vector<512x128xf32>
    %div3A_14 = arith.divf %add3A_13, %div3A : vector<512x128xf32>
    %swap3A = arith.constant 0 : index
    %swap3A_15 = arith.constant 0 : index
    %swap3A_16 = vector.load %arg5[%swap3A, %swap3A_15] : memref<512x128xf32, #tpu.memory_space<vmem>>, vector<512x128xf32>
    tpu.vector_store %arg5[%swap3A, %swap3A_15], %div3A_14 {strides = array<i32>} : memref<512x128xf32, #tpu.memory_space<vmem>>, vector<512x128xf32>,
    return
  }
  func.func @transform_0(%arg0: i32) -> (i32, i32) {
    %c0_i32 = arith.constant 0 : i32
    %c0_i32_0 = arith.constant 0 : i32
    return %arg0, %c0_i32 : i32, i32
  }
  func.func @transform_1(%arg0: i32) -> (i32, i32) {
    %c0_i32 = arith.constant 0 : i32
    %c0_i32_0 = arith.constant 0 : i32
    return %arg0, %c0_i32 : i32, i32
  }
  func.func @transform_2(%arg0: i32) -> (i32, i32) {
    %c0_i32 = arith.constant 0 : i32
    %c0_i32_0 = arith.constant 0 : i32
    return %arg0, %c0_i32 : i32, i32
  }
  func.func @transform_3(%arg0: i32) -> (i32, i32) {
    %c0_i32 = arith.constant 0 : i32
    %c0_i32_0 = arith.constant 0 : i32
    return %arg0, %c0_i32 : i32, i32
  }
  func.func @transform_4(%arg0: i32) -> (i32, i32) {
    %c0_i32 = arith.constant 0 : i32
    %c0_i32_0 = arith.constant 0 : i32
    return %arg0, %c0_i32 : i32, i32
  }
}

</mosaic_0001>

<sc_bundles>
// kernel: kernel.11.cloned.1.call-start
scs
__scs_entry_jumppad:
0x0: {  	(pc) =	sbr.rel $0x88, $3  }
0x1: {  	(tag) =	ssettag $0x0;
	lr =	simm.s32 $0x1  }
0x2: {  	[smem:$0x3F9B] =	sst lr;
	_ =	strace $0xD0000000  }
0x3: {  	_ = 	snop  }
0x4: {  	_ = 	snop  }
0x5: {  	_ = 	snop  }
0x6: {  	_ = 	snop  }
0x7: {  	_ = 	snop  }
__scs_overlays_trampoline_lowered:
0x8: {  	[smem:$0x3FAA] =	sst s0  }
0x9: {  	[smem:$0x3FAB] =	sst s1  }
0xa: {  	[smem:$0x3FAC] =	sst s2  }
0xb: {  	[smem:$0x3FAD] =	sst s3  }
0xc: {  	[smem:$0x3FAE] =	sst s4  }
0xd: {  	[smem:$0x3FAF] =	sst s5  }
0xe: {  	[smem:$0x3FB0] =	sst s6  }
0xf: {  	[smem:$0x3FB1] =	sst s7  }
0x10: {  	[smem:$0x3FB2] =	sst s8  }
0x11: {  	[smem:$0x3FB3] =	sst s9;
	s0 =	simm.s32 @!p0 $0x0  }
0x12: {  	s1 =	sld [smem:$0x3F99];
	s0 =	simm.s32 @p0 $0x1  }
0x13: {  	[smem:$0x3FB4] =	sst s0;
	s0 =	simm.s32 @!p1 $0x0  }
0x14: {  	s2 =	sld [smem:$0x3F98];
	s0 =	simm.s32 @p1 $0x1  }
0x15: {  	[smem:$0x3FB5] =	sst s0;
	s0 =	simm.s32 @!p2 $0x0  }
0x16: {  	s3 =	sld [smem:$0x3FDB];
	s0 =	simm.s32 @p2 $0x1  }
0x17: {  	s4 =	simm.s32 $0x1BF5;
	[smem:$0x3FB7] =	sst s0  }
0x18: {  	s0 =	sld [smem:$0x3F9A];
	_ =	swait.ge [sflag:s4], $0x0  }
0x19: {  	s7 =	sld [smem:$0x3F9B]  }
0x1a: {  	s8 =	sadd.s32 $0xFFFFE003, lr  }
0x1b: {  	s9 =	sadd.s32 $0xFFFFFEF7, lr;
	s5 =	simm.s32 $0xFFFFFFFF;
	p2 =	slt.u32 s8, $0xFFFFF086  }
0x1c: {  	p1 =	slt.u32 s9, $0xF7A;
	s5 =	simm.s32 @!p2 $0x0  }
0x1d: {  	s5 =	simm.s32 @p1 $0x1;
	p0 =	seq.s32 s7, s2  }
0x1e: {  	s7 =	smul.u32 @!p0 $0xF7A, s2;
	p2 =	seq.s32 @!p0 s5, $0x0  }
0x1f: {  	s9 =	smul.u32 $0xF7A, s1;
	s8 =	simm.s32 @!p0 $0x1BF5;
	p2 =	por !p2, p0  }
0x20: {  	[sflag:s8] =	ssyncset.s32 @!p0 $0xFFFFF086;
	s6 =	sadd.s32 @!p0 s3, s7;
	s7 =	simm.s32 @!p0 $0x108  }
0x21: {  	s3 =	sadd.s32 s3, s9;
	s6 =	sadd.s32 @!p0 $0x88, s6;
	s7 =	simm.s32 @p2 $0x1082  }
0x22: {  	[simem:s7], [sflag:s8] =	dma.local @!p0 [hbm:s6], $0xF7A  }
0x23: {  	s9 =	sor.u32 $0xD0000000, s2;
	s6 =	simm.s32 $0x108;
	_ =	swait.ge @!p0 [sflag:s8], $0x0  }
0x24: {  	s3 =	sadd.s32 $0x88, s3;
	s6 =	simm.s32 @!p1 $0x1082;
	[sflag:s4] =	ssyncset.s32 $0xFFFFF086  }
0x25: {  	[simem:s6], [sflag:s4] =	dma.local [hbm:s3], $0xF7A  }
0x26: {  	[smem:$0x3F9B] =	sst s1;
	(tag) =	ssettag s2;
	_ =	strace s9  }
0x27: {  	s1 =	sld [smem:$0x3FAB]  }
0x28: {  	s2 =	sld [smem:$0x3FAC]  }
0x29: {  	s4 =	sld [smem:$0x3FAE]  }
0x2a: {  	p0 =	seq.s32 s5, $0x0;
	s5 =	sld [smem:$0x3FAF]  }
0x2b: {  	s6 =	sld [smem:$0x3FB0]  }
0x2c: {  	s7 =	sld [smem:$0x3FB1]  }
0x2d: {  	s3 =	simm.s32 $0x108;
	s8 =	sld [smem:$0x3FB2]  }
0x2e: {  	s3 =	simm.s32 @!p0 $0x1082;
	s9 =	sld [smem:$0x3FB3]  }
0x2f: {  	lr =	sadd.s32 s0, s3;
	s0 =	sld [smem:$0x3FAA]  }
0x30: {  	s3 =	sld [smem:$0x3FAD]  }
0x31: {  	[smem:$0x3FB6] =	sst s10  }
0x32: {  	s10 =	sld [smem:$0x3FB4];
	_ =	sdelay $0x3  }
0x33: {  	p0 =	seq.s32 s10, $0x1;
	s10 =	sld [smem:$0x3FB6];
	_ =	sdelay $0x3  }
0x34: {  	[smem:$0x3FB6] =	sst s10  }
0x35: {  	s10 =	sld [smem:$0x3FB5];
	_ =	sdelay $0x3  }
0x36: {  	p1 =	seq.s32 s10, $0x1;
	s10 =	sld [smem:$0x3FB6];
	_ =	sdelay $0x3  }
0x37: {  	[smem:$0x3FB6] =	sst s10  }
0x38: {  	s10 =	sld [smem:$0x3FB7]  }
0x39: {  	_ = 	snop;
	(pc) =	sbr.ind lr, $3  }
0x3a: {  	_ = 	snop  }
0x3b: {  	_ = 	snop  }
0x3c: {  	p2 =	seq.s32 s10, $0x1;
	s10 =	sld [smem:$0x3FB6]  }
0x3d: {  	_ =	shalt  }
0x3e: {  	_ =	shalt  }
0x3f: {  	_ =	shalt  }
0x40: {  	_ =	shalt  }
0x41: {  	_ =	shalt  }
0x42: {  	_ =	shalt  }
0x43: {  	_ =	shalt  }
0x44: {  	_ =	shalt  }
0x45: {  	_ =	shalt  }
0x46: {  	_ =	shalt  }
0x47: {  	_ =	shalt  }
0x48: {  	_ =	shalt  }
0x49: {  	_ =	shalt  }
0x4a: {  	_ =	shalt  }
0x4b: {  	_ =	shalt  }
0x4c: {  	_ =	shalt  }
0x4d: {  	_ =	shalt  }
0x4e: {  	_ =	shalt  }
0x4f: {  	_ =	shalt  }
0x50: {  	_ =	shalt  }
0x51: {  	_ =	shalt  }
0x52: {  	_ =	shalt  }
0x53: {  	_ =	shalt  }
0x54: {  	_ =	shalt  }
0x55: {  	_ =	shalt  }
0x56: {  	_ =	shalt  }
0x57: {  	_ =	shalt  }
0x58: {  	_ =	shalt  }
0x59: {  	_ =	shalt  }
0x5a: {  	_ =	shalt  }
0x5b: {  	_ =	shalt  }
0x5c: {  	_ =	shalt  }
0x5d: {  	_ =	shalt  }
0x5e: {  	_ =	shalt  }
0x5f: {  	_ =	shalt  }
0x60: {  	_ =	shalt  }
0x61: {  	_ =	shalt  }
0x62: {  	_ =	shalt  }
0x63: {  	_ =	shalt  }
0x64: {  	_ =	shalt  }
0x65: {  	_ =	shalt  }
0x66: {  	_ =	shalt  }
0x67: {  	_ =	shalt  }
0x68: {  	_ =	shalt  }
0x69: {  	_ =	shalt  }
0x6a: {  	_ =	shalt  }
0x6b: {  	_ =	shalt  }
0x6c: {  	_ =	shalt  }
0x6d: {  	_ =	shalt  }
0x6e: {  	_ =	shalt  }
0x6f: {  	_ =	shalt  }
0x70: {  	_ =	shalt  }
0x71: {  	_ =	shalt  }
0x72: {  	_ =	shalt  }
0x73: {  	_ =	shalt  }
0x74: {  	_ =	shalt  }
0x75: {  	_ =	shalt  }
0x76: {  	_ =	shalt  }
0x77: {  	_ =	shalt  }
0x78: {  	_ =	shalt  }
0x79: {  	_ =	shalt  }
0x7a: {  	_ =	shalt  }
0x7b: {  	_ =	shalt  }
0x7c: {  	_ =	shalt  }
0x7d: {  	_ =	shalt  }
0x7e: {  	_ =	shalt  }
0x7f: {  	_ =	shalt  }
0x80: {  	_ =	shalt  }
0x81: {  	_ =	shalt  }
0x82: {  	_ =	shalt  }
0x83: {  	_ =	shalt  }
0x84: {  	_ =	shalt  }
0x85: {  	_ =	shalt  }
0x86: {  	_ =	shalt  }
0x87: {  	_ =	shalt  }
.Lfunc_end0:
.L_simem_size_0:
called_computation.1_lowered:
.L_overlay_start_0:
0x88: {  	s2 =	sld [smem:$0x3FD9]  }
0x89: {  	s3 =	sld [smem:$0x3FFE];
	_ =	sdelay $0x1  }
0x8a: {  	s1 =	srdreg.scid  }
0x8b: {  	s0 =	sand.u32 $0x1, s1  }
0x8c: {  	s17 =	sshll.u32 s0, $0xA;
	s2 =	sadd.s32 s3, s2  }
0x8d: {  	s2 =	sadd.s32 s2, s17  }
0x8e: {  	[smem:$0x3FC2] =	sst s2  }
0x8f: {  	_ = 	snop  }
0x90: {  	(tm) =	ssettm $0x1  }
0x91: {  	s18 =	sld [smem:$0x3FFB];
	_ =	sdelay $0x3  }
0x92: {  	_ =	strace s18  }
0x93: {  	s2 =	sld [smem:$0x3FFC];
	_ =	sdelay $0x3  }
0x94: {  	_ =	strace s2  }
0x95: {  	s2 =	sld [smem:$0x3FFD];
	_ =	sdelay $0x3  }
0x96: {  	_ =	strace s2  }
0x97: {  	_ =	strace $0x8FFFFFFF  }
0x98: {  	s19 =	sld [smem:$0x3FDB];
	_ =	sdelay $0x1  }
0x99: {  	s20 =	simm.s32 $_scs_section_size  }
0x9a: {  	s4 =	simm.s32 $_size__tile_overlayer_lowered;
	s5 =	simm.s32 $_tile_overlayer_lowered  }
0x9b: {  	s6 =	simm.s32 $0x1BFF;
	s21 =	sshll.u32 s5, $0x1;
	s3 =	sadd.s32 s20, s19  }
0x9c: {  	s22 =	simm.s32 $0x0;
	s4 =	sshll.u32 s4, $0x1;
	s5 =	sadd.s32 s21, s3  }
0x9d: {  	[timem:s22], [sflag:s6] =	dma.local [hbm:s5], s4  }
0x9e: {  	_ =	swait.ge [sflag:s6], s4  }
0x9f: {  	s4 =	ssub.s32 $0x0, s4;
	[sflag:s6] =	ssyncset.done $0x0  }
0xa0: {  	[sflag:s6] =	ssyncadd.s32 s4;
	_ =	sdelay $0x1  }
0xa1: {  	s23 =	simm.s32 $0x1B8B  }
0xa2: {  	_ =	swait.ge [sflag:s23], $0x1  }
0xa3: {  	[sflag:s23] =	ssyncset.done $0x0  }
0xa4: {  	[sflag:s23] =	ssyncadd.s32 $0xFFFFFFFF  }
0xa5: {  	s4 =	sld [smem:$0x0]  }
0xa6: {  	s5 =	sand.u32 $0xFFFFFFFE, s1  }
0xa7: {  	p0 =	sne.s32 s1, s5  }
0xa8: {  	s5 =	sshll.u32 @p0 s5, $0xE  }
0xa9: {  	s5 =	sadd.s32 @p0 $0x11B8D, s5;
	s6 =	sshll.u32 @p0 s4, $0x11  }
0xaa: {  	s5 =	sor.u32 @p0 s6, s5  }
0xab: {  	[sflag:s5] =	ssyncadd.remote.s32 @p0 $0x1;
	_ =	sdelay $0x1  }
0xac: {  	s5 =	simm.s32 @p0 $0x1B8D  }
0xad: {  	_ =	swait.eq @p0 [sflag:s5], $0x1  }
0xae: {  	[sflag:s5] =	ssyncadd.s32 @p0 $0xFFFFFFFF  }
0xaf: {  	s6 =	sshll.u32 @!p0 s1, $0xE  }
0xb0: {  	s6 =	sor.u32 @!p0 $0x4000, s6;
	s5 =	simm.s32 @!p0 $0x1B8D  }
0xb1: {  	s4 =	sshll.u32 @!p0 s4, $0x11;
	s6 =	sadd.s32 @!p0 $0x11B8D, s6;
	_ =	swait.eq @!p0 [sflag:s5], $0x1  }
0xb2: {  	s4 =	sor.u32 @!p0 s4, s6;
	[sflag:s5] =	ssyncadd.s32 @!p0 $0xFFFFFFFF  }
0xb3: {  	s25 =	simm.s32 $0x1B8E;
	s24 =	sld [smem:$0x3FFE];
	[sflag:s4] =	ssyncadd.remote.s32 @!p0 $0x1  }
0xb4: {  	s26 =	simm.s32 $execute0_lowered;
	[smem:$0x3FD2] =	sst s25  }
0xb5: {  	s5 =	sshll.u32 s26, $0x1;
	_ =	strace $0x80000049;
	[dreg:$0x1] =	wrdreg $0xFFFFFFFF  }
0xb6: {  	s28 =	simm.s32 $_size_execute0_lowered;
	s3 =	sadd.s32 s3, s5;
	[dreg:$0x0] =	wrdreg $0x0  }
0xb7: {  	s5 =	sshll.u32 s28, $0x1;
	[dreg:$0x2] =	wrdreg s3  }
0xb8: {  	[dreg:$0x3] =	wrdreg s5  }
0xb9: {  	[dreg:$0x4] =	wrdreg $0xC0  }
0xba: {  	_ =	task [dreg:s22], $0x5FFFF  }
0xbb: {  	[dreg:$0x1] =	wrdreg $0xFFFFFFFF  }
0xbc: {  	[dreg:$0x0] =	wrdreg $0x60  }
0xbd: {  	[dreg:$0x2] =	wrdreg s24  }
0xbe: {  	[dreg:$0x3] =	wrdreg $0x0  }
0xbf: {  	[dreg:$0x4] =	wrdreg $0xA  }
0xc0: {  	_ =	task.clear_ibuf [dreg:s22], $0x5FFFF;
	_ =	strace $0x90000049  }
0xc1: {  	s29 =	simm.s32 $0xA;
	_ =	strace $0x8000004B  }
0xc2: {  	_ =	swait.ge [sflag:s29], $0x1  }
0xc3: {  	[sflag:s29] =	ssyncadd.s32 $0xFFFFFFFF  }
0xc4: {  	_ =	strace $0x9000004B  }
0xc5: {  	_ =	sfence  }
0xc6: {  	s30 =	sld [smem:$0x0];
	_ =	sdelay $0x2  }
0xc7: {  	s31 =	sshll.u32 s1, $0xD;
	s1 =	sshrl.u32 s1, $0x2  }
0xc8: {  	s4 =	sand.u32 $0x4000, s31;
	s1 =	sadd.s32 s1, s30  }
0xc9: {  	s0 =	sor.u32 s4, s0;
	s1 =	sshll.u32 s1, $0x11  }
0xca: {  	s0 =	sor.u32 s1, s0  }
0xcb: {  	s0 =	sadd.s32 $0x8F2B, s0  }
0xcc: {  	[sflag:s0] =	ssyncadd.remote.s32 $0x1  }
0xcd: {  	_ =	sfence.sel $0xFFFF  }
0xce: {  	[dreg:$0x0] =	wrdreg $0xFFFFFFFF;
	(pc) =	sbr.abs _section_cstart, $3  }
0xcf: {  	[dreg:$0x1] =	wrdreg $0xFFFFFFFF  }
0xd0: {  	_ =	task.clear_ibuf [dreg:s22], $0x2FFFF;
	_ =	strace $0x9FFFFFFF  }
0xd1: {  	(tm) =	ssettm $0x7FFFFFFF  }
tec
execute0_lowered:
.L_overlay_start_1:
0x0: {  	(tag) =	ssettag $0x1  }
0x1: {  	s7 =	rddreg [dreg:$0x0]  }
0x2: {  	s0 =	srdreg.scid;
	s2 =	rddreg [dreg:$0x1];
	s3 =	simm.s32 $0x0  }
0x3: {  	s13 =	simm.s32 $0x13900;
	s14 =	simm.s32 $0x80;
	s6 =	sand.u32 $0x1, s0  }
0x4: {  	s15 =	simm.s32 $0x0;
	s0 =	stileid.u32;
	s5 =	smul.u32 $0x13C000, s6  }
0x5: {  	[smem:$0x7FF] =	sst s3;
	s1 =	sshll.u32 s6, $0x4;
	s8 =	smul.u32 $0x13C00, s0  }
0x6: {  	s10 =	smul.u32 $0x4E200, s0;
	s6 =	ssub.s32 $0x2, s6;
	s1 =	sor.u32 s0, s1  }
0x7: {  	s11 =	sshll.u32 s0, $0x6;
	s31 =	sshrl.u32 s6, $0x1;
	s4 =	smul.u32 $0x9E0, s1  }
0x8: {  	s1 =	rddreg [dreg:$0x2];
	_ =	strace $0x8000004A;
	s5 =	sadd.s32 s8, s5  }
0x9: {  	s10 =	sshrl.u32 s10, $0x2;
	s12 =	ssub.s32 s6, s31;
	s6 =	sor.u32 $0x1C01, s11  }
0xa: {  	s11 =	simm.s32 $0x1;
	s8 =	sshrl.u32 s5, $0x3;
	s5 =	sadd.s32 $0x68000, s7  }
0xb: {  	s10 =	sadd.s32 s10, s2;
	s9 =	sadd.s32 s4, s7;
	s4 =	sadd.s32 $0x16800, s7  }
0xc: {  	s8 =	sadd.s32 s8, s7;
	s10 =	sshrl.u32 s10, $0x3;
	s7 =	sadd.s32 $0x2C00, s9  }
0xd: {  	s8 =	sadd.s32 $0x68800, s8;
	s9 =	smax.u32 s12, $0x1;
	s12 =	simm.s32 $0x18800  }
.LBB2_1:
0xe: {  	[spmem:s10], [sflag:s6] =	dma.local [hbm:s4], $0x2710  }
0xf: {  	_ =	swait.ge [sflag:s11], $0x2710  }
0x10: {  	[sflag:s11] =	ssyncset.done $0x0  }
0x11: {  	[sflag:s11] =	ssyncadd.s32 $0xFFFFD8F0  }
0x12: {  	[tilespmem:s12], [sflag:$0x1] =	stream.linear.gather [hbm4b:s5+s3], $0x4000, $0x38;
	[tilespmem:$0x1C800] =	vst v63  }
0x13: {  	_ =	swait.ge [sflag:s11], $0x4000  }
0x14: {  	[sflag:s11] =	ssyncset.done $0x0  }
0x15: {  	[sflag:s11] =	ssyncadd.s32 $0xFFFFC000  }
0x16: {  	[tilespmem:s13], [sflag:$0x1] =	stream.linear.gather [hbm4b:s7+s3], $0x4F00, $0x38;
	[tilespmem:$0x1C800] =	vst v63  }
0x17: {  	_ =	swait.ge [sflag:s11], $0x4F00  }
0x18: {  	[sflag:s11] =	ssyncset.done $0x0  }
0x19: {  	[sflag:s11] =	ssyncadd.s32 $0xFFFFB100  }
0x1a: {  	s16 =	simm.s32 $0x13980;
	[bflag:$0x0] =	sbarrier.arrive $0xFFFF  }
0x1b: {  	[spmem:s2] =	stream.indirect.scatter.add.f32 [tilespmem:s12], [sflag:$0x1], $0x80, s16, s14, $0xb8;
	[tilespmem:$0x1C800] =	vst v63  }
0x1c: {  	s16 =	simm.s32 $0x600;
	_ =	swait.ge [sflag:s11], $0x4000  }
.LBB2_2:
0x1d: {  	s17 =	sshra.s32 s16, $0x2;
	[sflag:s11] =	ssyncset.done $0x0;
	p0 =	sne.s32 s16, $0x13A00  }
.Ltmp0:
0x1e: {  	s17 =	sadd.s32 $0x13900, s17;
	[sflag:s11] =	ssyncadd.s32 $0xFFFFC000;
	(pc) =	sbr.rel @p0 .LBB2_2-.Ltmp0, $3  }
0x1f: {  	[spmem:s2] =	stream.indirect.scatter.add.f32 [tilespmem:s12], [sflag:$0x1], $0x80, s17, s14, $0xb8;
	[tilespmem:$0x1C800] =	vst v63  }
0x20: {  	s16 =	sadd.s32 $0x400, s16;
	_ =	sdelay $0x1  }
0x21: {  	_ =	swait.ge [sflag:s11], $0x4000  }
0x22: {  	[sflag:s11] =	ssyncset.done $0x0;
	s15 =	sadd.s32 $0x1, s15  }
0x23: {  	[sflag:s11] =	ssyncadd.s32 $0xFFFFC000;
	p0 =	sne.s32 s15, s9  }
.Ltmp1:
0x24: {  	[bflag:$0x0] =	sbarrier.arrive $0xFFFF;
	(pc) =	sbr.rel @p0 .LBB2_1-.Ltmp1, $4  }
0x25: {  	[hbm:s8], [sflag:s6] =	dma.local [spmem:s10], $0x2710  }
0x26: {  	_ =	swait.ge [sflag:s11], $0x2710  }
0x27: {  	[sflag:s11] =	ssyncset.done $0x0  }
0x28: {  	[sflag:s11] =	ssyncadd.s32 $0xFFFFD8F0  }
0x29: {  	_ =	sfence.sel $0x180000  }
0x2a: {  	[bflag:$0x0] =	sbarrier.arrive $0xFFFF  }
0x2b: {  	p0 =	sne.s32 s0, $0x0;
	_ =	strace $0x9000004A  }
0x2c: {  	s0 =	sadd.s32 @!p0 $0x100000, s1;
	[bflag:$0x2] =	sbarrier.arrive $0xFFFF  }
0x2d: {  	[sflag:s0] =	ssyncadd.tile.s32 @!p0 $0x1;
	_ =	shalt  }
.Lfunc_end2:
_tile_overlayer_lowered:
.L_overlay_start_2:
0x2e: {  	(tag) =	ssettag $0x2  }
0x2f: {  	s0 =	rddreg [dreg:$0x0];
	s2 =	stileid.u32  }
0x30: {  	s1 =	rddreg [dreg:$0x1];
	p0 =	sne.s32 s2, $0x0  }
0x31: {  	s3 =	rddreg [dreg:$0x2];
	[bflag:$0x3] =	sbarrier.arrive $0xFFFF;
	s2 =	simm.s32 @!p0 $0x1C01  }
0x32: {  	[timem:s3], [sflag:s2] =	dma.local @!p0 [hbm:s0], s1  }
0x33: {  	s0 =	simm.s32 @!p0 $0x1  }
0x34: {  	_ =	swait.ge @!p0 [sflag:s0], s1  }
0x35: {  	s1 =	ssub.s32 @!p0 $0x0, s1;
	[sflag:s0] =	ssyncset.done @!p0 $0x0  }
0x36: {  	[sflag:s0] =	ssyncadd.s32 @!p0 s1  }
0x37: {  	[bflag:$0x3] =	sbarrier.arrive $0xFFFF  }
0x38: {  	_ =	shalt  }

// kernel: kernel.14.cloned.1.call-start
scs
__scs_entry_jumppad:
0x0: {  	(pc) =	sbr.rel $0x88, $3  }
0x1: {  	(tag) =	ssettag $0x0;
	lr =	simm.s32 $0x1  }
0x2: {  	[smem:$0x3F9B] =	sst lr;
	_ =	strace $0xD0000000  }
0x3: {  	_ = 	snop  }
0x4: {  	_ = 	snop  }
0x5: {  	_ = 	snop  }
0x6: {  	_ = 	snop  }
0x7: {  	_ = 	snop  }
__scs_overlays_trampoline_lowered:
0x8: {  	[smem:$0x3FAA] =	sst s0  }
0x9: {  	[smem:$0x3FAB] =	sst s1  }
0xa: {  	[smem:$0x3FAC] =	sst s2  }
0xb: {  	[smem:$0x3FAD] =	sst s3  }
0xc: {  	[smem:$0x3FAE] =	sst s4  }
0xd: {  	[smem:$0x3FAF] =	sst s5  }
0xe: {  	[smem:$0x3FB0] =	sst s6  }
0xf: {  	[smem:$0x3FB1] =	sst s7  }
0x10: {  	[smem:$0x3FB2] =	sst s8  }
0x11: {  	[smem:$0x3FB3] =	sst s9;
	s0 =	simm.s32 @!p0 $0x0  }
0x12: {  	s1 =	sld [smem:$0x3F99];
	s0 =	simm.s32 @p0 $0x1  }
0x13: {  	[smem:$0x3FB4] =	sst s0;
	s0 =	simm.s32 @!p1 $0x0  }
0x14: {  	s2 =	sld [smem:$0x3F98];
	s0 =	simm.s32 @p1 $0x1  }
0x15: {  	[smem:$0x3FB5] =	sst s0;
	s0 =	simm.s32 @!p2 $0x0  }
0x16: {  	s3 =	sld [smem:$0x3FDB];
	s0 =	simm.s32 @p2 $0x1  }
0x17: {  	s4 =	simm.s32 $0x1BF5;
	[smem:$0x3FB7] =	sst s0  }
0x18: {  	s0 =	sld [smem:$0x3F9A];
	_ =	swait.ge [sflag:s4], $0x0  }
0x19: {  	s7 =	sld [smem:$0x3F9B]  }
0x1a: {  	s8 =	sadd.s32 $0xFFFFE003, lr  }
0x1b: {  	s9 =	sadd.s32 $0xFFFFFEF7, lr;
	s5 =	simm.s32 $0xFFFFFFFF;
	p2 =	slt.u32 s8, $0xFFFFF086  }
0x1c: {  	p1 =	slt.u32 s9, $0xF7A;
	s5 =	simm.s32 @!p2 $0x0  }
0x1d: {  	s5 =	simm.s32 @p1 $0x1;
	p0 =	seq.s32 s7, s2  }
0x1e: {  	s7 =	smul.u32 @!p0 $0xF7A, s2;
	p2 =	seq.s32 @!p0 s5, $0x0  }
0x1f: {  	s9 =	smul.u32 $0xF7A, s1;
	s8 =	simm.s32 @!p0 $0x1BF5;
	p2 =	por !p2, p0  }
0x20: {  	[sflag:s8] =	ssyncset.s32 @!p0 $0xFFFFF086;
	s6 =	sadd.s32 @!p0 s3, s7;
	s7 =	simm.s32 @!p0 $0x108  }
0x21: {  	s3 =	sadd.s32 s3, s9;
	s6 =	sadd.s32 @!p0 $0x88, s6;
	s7 =	simm.s32 @p2 $0x1082  }
0x22: {  	[simem:s7], [sflag:s8] =	dma.local @!p0 [hbm:s6], $0xF7A  }
0x23: {  	s9 =	sor.u32 $0xD0000000, s2;
	s6 =	simm.s32 $0x108;
	_ =	swait.ge @!p0 [sflag:s8], $0x0  }
0x24: {  	s3 =	sadd.s32 $0x88, s3;
	s6 =	simm.s32 @!p1 $0x1082;
	[sflag:s4] =	ssyncset.s32 $0xFFFFF086  }
0x25: {  	[simem:s6], [sflag:s4] =	dma.local [hbm:s3], $0xF7A  }
0x26: {  	[smem:$0x3F9B] =	sst s1;
	(tag) =	ssettag s2;
	_ =	strace s9  }
0x27: {  	s1 =	sld [smem:$0x3FAB]  }
0x28: {  	s2 =	sld [smem:$0x3FAC]  }
0x29: {  	s4 =	sld [smem:$0x3FAE]  }
0x2a: {  	p0 =	seq.s32 s5, $0x0;
	s5 =	sld [smem:$0x3FAF]  }
0x2b: {  	s6 =	sld [smem:$0x3FB0]  }
0x2c: {  	s7 =	sld [smem:$0x3FB1]  }
0x2d: {  	s3 =	simm.s32 $0x108;
	s8 =	sld [smem:$0x3FB2]  }
0x2e: {  	s3 =	simm.s32 @!p0 $0x1082;
	s9 =	sld [smem:$0x3FB3]  }
0x2f: {  	lr =	sadd.s32 s0, s3;
	s0 =	sld [smem:$0x3FAA]  }
0x30: {  	s3 =	sld [smem:$0x3FAD]  }
0x31: {  	[smem:$0x3FB6] =	sst s10  }
0x32: {  	s10 =	sld [smem:$0x3FB4];
	_ =	sdelay $0x3  }
0x33: {  	p0 =	seq.s32 s10, $0x1;
	s10 =	sld [smem:$0x3FB6];
	_ =	sdelay $0x3  }
0x34: {  	[smem:$0x3FB6] =	sst s10  }
0x35: {  	s10 =	sld [smem:$0x3FB5];
	_ =	sdelay $0x3  }
0x36: {  	p1 =	seq.s32 s10, $0x1;
	s10 =	sld [smem:$0x3FB6];
	_ =	sdelay $0x3  }
0x37: {  	[smem:$0x3FB6] =	sst s10  }
0x38: {  	s10 =	sld [smem:$0x3FB7]  }
0x39: {  	_ = 	snop;
	(pc) =	sbr.ind lr, $3  }
0x3a: {  	_ = 	snop  }
0x3b: {  	_ = 	snop  }
0x3c: {  	p2 =	seq.s32 s10, $0x1;
	s10 =	sld [smem:$0x3FB6]  }
0x3d: {  	_ =	shalt  }
0x3e: {  	_ =	shalt  }
0x3f: {  	_ =	shalt  }
0x40: {  	_ =	shalt  }
0x41: {  	_ =	shalt  }
0x42: {  	_ =	shalt  }
0x43: {  	_ =	shalt  }
0x44: {  	_ =	shalt  }
0x45: {  	_ =	shalt  }
0x46: {  	_ =	shalt  }
0x47: {  	_ =	shalt  }
0x48: {  	_ =	shalt  }
0x49: {  	_ =	shalt  }
0x4a: {  	_ =	shalt  }
0x4b: {  	_ =	shalt  }
0x4c: {  	_ =	shalt  }
0x4d: {  	_ =	shalt  }
0x4e: {  	_ =	shalt  }
0x4f: {  	_ =	shalt  }
0x50: {  	_ =	shalt  }
0x51: {  	_ =	shalt  }
0x52: {  	_ =	shalt  }
0x53: {  	_ =	shalt  }
0x54: {  	_ =	shalt  }
0x55: {  	_ =	shalt  }
0x56: {  	_ =	shalt  }
0x57: {  	_ =	shalt  }
0x58: {  	_ =	shalt  }
0x59: {  	_ =	shalt  }
0x5a: {  	_ =	shalt  }
0x5b: {  	_ =	shalt  }
0x5c: {  	_ =	shalt  }
0x5d: {  	_ =	shalt  }
0x5e: {  	_ =	shalt  }
0x5f: {  	_ =	shalt  }
0x60: {  	_ =	shalt  }
0x61: {  	_ =	shalt  }
0x62: {  	_ =	shalt  }
0x63: {  	_ =	shalt  }
0x64: {  	_ =	shalt  }
0x65: {  	_ =	shalt  }
0x66: {  	_ =	shalt  }
0x67: {  	_ =	shalt  }
0x68: {  	_ =	shalt  }
0x69: {  	_ =	shalt  }
0x6a: {  	_ =	shalt  }
0x6b: {  	_ =	shalt  }
0x6c: {  	_ =	shalt  }
0x6d: {  	_ =	shalt  }
0x6e: {  	_ =	shalt  }
0x6f: {  	_ =	shalt  }
0x70: {  	_ =	shalt  }
0x71: {  	_ =	shalt  }
0x72: {  	_ =	shalt  }
0x73: {  	_ =	shalt  }
0x74: {  	_ =	shalt  }
0x75: {  	_ =	shalt  }
0x76: {  	_ =	shalt  }
0x77: {  	_ =	shalt  }
0x78: {  	_ =	shalt  }
0x79: {  	_ =	shalt  }
0x7a: {  	_ =	shalt  }
0x7b: {  	_ =	shalt  }
0x7c: {  	_ =	shalt  }
0x7d: {  	_ =	shalt  }
0x7e: {  	_ =	shalt  }
0x7f: {  	_ =	shalt  }
0x80: {  	_ =	shalt  }
0x81: {  	_ =	shalt  }
0x82: {  	_ =	shalt  }
0x83: {  	_ =	shalt  }
0x84: {  	_ =	shalt  }
0x85: {  	_ =	shalt  }
0x86: {  	_ =	shalt  }
0x87: {  	_ =	shalt  }
.Lfunc_end0:
.L_simem_size_0:
called_computation.2_lowered:
.L_overlay_start_0:
0x88: {  	s2 =	sld [smem:$0x3FD9]  }
0x89: {  	s3 =	sld [smem:$0x3FFE];
	_ =	sdelay $0x1  }
0x8a: {  	s1 =	srdreg.scid  }
0x8b: {  	s0 =	sand.u32 $0x1, s1  }
0x8c: {  	s16 =	sshll.u32 s0, $0xA;
	s2 =	sadd.s32 s3, s2  }
0x8d: {  	s2 =	sadd.s32 s2, s16  }
0x8e: {  	[smem:$0x3FC2] =	sst s2  }
0x8f: {  	_ = 	snop  }
0x90: {  	(tm) =	ssettm $0x1  }
0x91: {  	s17 =	sld [smem:$0x3FFB];
	_ =	sdelay $0x3  }
0x92: {  	_ =	strace s17  }
0x93: {  	s2 =	sld [smem:$0x3FFC];
	_ =	sdelay $0x3  }
0x94: {  	_ =	strace s2  }
0x95: {  	s2 =	sld [smem:$0x3FFD];
	_ =	sdelay $0x3  }
0x96: {  	_ =	strace s2  }
0x97: {  	_ =	strace $0x8FFFFFFF  }
0x98: {  	s18 =	sld [smem:$0x3FDB];
	_ =	sdelay $0x1  }
0x99: {  	s19 =	simm.s32 $_scs_section_size  }
0x9a: {  	s4 =	simm.s32 $_size__tile_overlayer_lowered;
	s5 =	simm.s32 $_tile_overlayer_lowered  }
0x9b: {  	s22 =	simm.s32 $0x1BFF;
	s21 =	sshll.u32 s5, $0x1;
	s2 =	sadd.s32 s19, s18  }
0x9c: {  	s6 =	simm.s32 $0x0;
	s20 =	sshll.u32 s4, $0x1;
	s4 =	sadd.s32 s21, s2  }
0x9d: {  	[timem:s6], [sflag:s22] =	dma.local [hbm:s4], s20  }
0x9e: {  	_ =	swait.ge [sflag:s22], s20  }
0x9f: {  	s3 =	ssub.s32 $0x0, s20;
	[sflag:s22] =	ssyncset.done $0x0  }
0xa0: {  	[sflag:s22] =	ssyncadd.s32 s3;
	_ =	sdelay $0x1  }
0xa1: {  	s23 =	simm.s32 $0x1B8B  }
0xa2: {  	_ =	swait.ge [sflag:s23], $0x1  }
0xa3: {  	[sflag:s23] =	ssyncset.done $0x0  }
0xa4: {  	s25 =	simm.s32 $0x1B8E;
	s24 =	sld [smem:$0x3FFE];
	[sflag:s23] =	ssyncadd.s32 $0xFFFFFFFF  }
0xa5: {  	s26 =	simm.s32 $execute0_lowered;
	[smem:$0x3FD2] =	sst s25  }
0xa6: {  	s4 =	sshll.u32 s26, $0x1;
	_ =	strace $0x8000004C;
	[dreg:$0x1] =	wrdreg $0xFFFFFFFF  }
0xa7: {  	s28 =	simm.s32 $_size_execute0_lowered;
	s2 =	sadd.s32 s2, s4;
	[dreg:$0x0] =	wrdreg $0x0  }
0xa8: {  	s4 =	sshll.u32 s28, $0x1;
	[dreg:$0x2] =	wrdreg s2  }
0xa9: {  	[dreg:$0x3] =	wrdreg s4  }
0xaa: {  	[dreg:$0x4] =	wrdreg $0xC0  }
0xab: {  	_ =	task [dreg:s6], $0x5FFFF  }
0xac: {  	[dreg:$0x1] =	wrdreg $0xFFFFFFFF  }
0xad: {  	[dreg:$0x0] =	wrdreg $0x60  }
0xae: {  	[dreg:$0x2] =	wrdreg s24  }
0xaf: {  	[dreg:$0x3] =	wrdreg $0x0  }
0xb0: {  	[dreg:$0x4] =	wrdreg $0x9  }
0xb1: {  	_ =	task.clear_ibuf [dreg:s6], $0x5FFFF;
	_ =	strace $0x9000004C  }
0xb2: {  	s29 =	simm.s32 $0x9;
	_ =	strace $0x8000004E  }
0xb3: {  	_ =	swait.ge [sflag:s29], $0x1  }
0xb4: {  	[sflag:s29] =	ssyncadd.s32 $0xFFFFFFFF  }
0xb5: {  	_ =	strace $0x9000004E  }
0xb6: {  	_ =	sfence  }
0xb7: {  	s30 =	sld [smem:$0x0];
	_ =	sdelay $0x2  }
0xb8: {  	s31 =	sshll.u32 s1, $0xD;
	s1 =	sshrl.u32 s1, $0x2  }
0xb9: {  	s3 =	sand.u32 $0x4000, s31;
	s1 =	sadd.s32 s1, s30  }
0xba: {  	s0 =	sor.u32 s3, s0;
	s1 =	sshll.u32 s1, $0x11  }
0xbb: {  	s0 =	sor.u32 s1, s0  }
0xbc: {  	s0 =	sadd.s32 $0x8F2B, s0  }
0xbd: {  	[sflag:s0] =	ssyncadd.remote.s32 $0x1  }
0xbe: {  	_ =	sfence.sel $0xFFFF  }
0xbf: {  	[dreg:$0x0] =	wrdreg $0xFFFFFFFF;
	(pc) =	sbr.abs _section_cstart, $3  }
0xc0: {  	[dreg:$0x1] =	wrdreg $0xFFFFFFFF  }
0xc1: {  	_ =	task.clear_ibuf [dreg:s6], $0x2FFFF;
	_ =	strace $0x9FFFFFFF  }
0xc2: {  	(tm) =	ssettm $0x7FFFFFFF  }
0xc3: {  	_ =	shalt  }
tec
execute0_lowered:
.L_overlay_start_1:
0x0: {  	(tag) =	ssettag $0x1  }
0x1: {  	s0 =	srdreg.scid;
	s6 =	rddreg [dreg:$0x0]  }
0x2: {  	s2 =	rddreg [dreg:$0x1];
	s3 =	simm.s32 $0x0;
	s12 =	simm.s32 $0x13900  }
0x3: {  	s13 =	simm.s32 $0x80;
	s14 =	simm.s32 $0x18800;
	s15 =	simm.s32 $0x1  }
0x4: {  	s16 =	simm.s32 $0x0;
	s5 =	sand.u32 $0x1, s0;
	s0 =	stileid.u32  }
0x5: {  	[smem:$0x7FF] =	sst s3;
	s4 =	sadd.s32 $0x19000, s6;
	s8 =	smul.u32 $0x13C000, s5  }
0x6: {  	s1 =	sshll.u32 s5, $0x4;
	s9 =	smul.u32 $0x13C00, s0;
	s28 =	ssub.s32 $0x2, s5  }
0x7: {  	s10 =	smul.u32 $0x4E200, s0;
	s5 =	sadd.s32 $0x16800, s6;
	s1 =	sor.u32 s0, s1  }
0x8: {  	s31 =	sshll.u32 s0, $0x6;
	s29 =	sshrl.u32 s28, $0x1;
	s7 =	smul.u32 $0x9E0, s1  }
0x9: {  	s1 =	rddreg [dreg:$0x2];
	_ =	strace $0x8000004D;
	s8 =	sadd.s32 s9, s8  }
0xa: {  	s9 =	ssub.s32 s28, s29;
	s30 =	sshrl.u32 s10, $0x2;
	s8 =	sshrl.u32 s8, $0x3  }
0xb: {  	s11 =	sadd.s32 s30, s2;
	s9 =	smax.u32 s9, $0x1;
	s7 =	sadd.s32 s7, s6  }
0xc: {  	s8 =	sadd.s32 s8, s6;
	s6 =	sor.u32 $0x1C02, s31;
	s10 =	sshrl.u32 s11, $0x3  }
0xd: {  	s11 =	simm.s32 $0x2;
	s7 =	sadd.s32 $0x2C00, s7;
	s8 =	sadd.s32 $0x40200, s8  }
.LBB2_1:
0xe: {  	[spmem:s10], [sflag:s6] =	dma.local [hbm:s5], $0x2710  }
0xf: {  	_ =	swait.ge [sflag:s11], $0x2710  }
0x10: {  	[sflag:s11] =	ssyncset.done $0x0  }
0x11: {  	[sflag:s11] =	ssyncadd.s32 $0xFFFFD8F0  }
0x12: {  	[tilespmem:s12], [sflag:$0x2] =	stream.linear.gather [hbm4b:s7+s3], $0x4F00, $0x38;
	[tilespmem:$0x1C800] =	vst v63  }
0x13: {  	_ =	swait.ge [sflag:s11], $0x4F00  }
0x14: {  	[sflag:s11] =	ssyncset.done $0x0  }
0x15: {  	[sflag:s11] =	ssyncadd.s32 $0xFFFFB100  }
0x16: {  	s17 =	simm.s32 $0x13900;
	[bflag:$0x0] =	sbarrier.arrive $0xFFFF  }
0x17: {  	[tilespmem:s14], [sflag:$0x1] =	stream.indirect.gather [hbm4b:s4+s13], $0x80, s17, s13, $0xb8;
	[tilespmem:$0x1C800] =	vst v63  }
0x18: {  	_ =	swait.ge [sflag:s15], $0x4000  }
0x19: {  	[sflag:s15] =	ssyncset.done $0x0  }
0x1a: {  	s31 =	simm.s32 $0x13980;
	[sflag:s15] =	ssyncadd.s32 $0xFFFFC000  }
0x1b: {  	[spmem:s2] =	stream.indirect.scatter.add.f32 [tilespmem:s14], [sflag:$0x2], $0x80, s31, s13, $0xb8;
	[tilespmem:$0x1C800] =	vst v63  }
0x1c: {  	_ =	swait.ge [sflag:s11], $0x4000  }
0x1d: {  	s18 =	simm.s32 $0x800;
	s17 =	simm.s32 $0x100;
	[sflag:s11] =	ssyncset.done $0x0  }
.LBB2_2:
0x1e: {  	s19 =	sadd.s32 $0x13900, s17  }
0x1f: {  	[sflag:s11] =	ssyncadd.s32 $0xFFFFC000;
	s20 =	smov.u32 s18;
	s21 =	sadd.s32 $0x400, s18  }
0x20: {  	[tilespmem:s14], [sflag:$0x1] =	stream.indirect.gather [hbm4b:s4+s13], $0x80, s19, s13, $0xb8;
	[tilespmem:$0x1C800] =	vst v63  }
0x21: {  	p0 =	sne.s32 s18, $0x13800;
	_ =	swait.ge [sflag:s15], $0x4000  }
.Ltmp0:
0x22: {  	[sflag:s15] =	ssyncset.done $0x0;
	(pc) =	sbr.rel @p0 .LBB2_2-.Ltmp0, $4  }
0x23: {  	s17 =	sadd.s32 $0x13980, s17;
	[sflag:s15] =	ssyncadd.s32 $0xFFFFC000  }
0x24: {  	[spmem:s2] =	stream.indirect.scatter.add.f32 [tilespmem:s14], [sflag:$0x2], $0x80, s17, s13, $0xb8;
	[tilespmem:$0x1C800] =	vst v63  }
0x25: {  	_ =	swait.ge [sflag:s11], $0x4000  }
0x26: {  	s18 =	smov.u32 s21;
	s17 =	sshra.s32 s20, $0x2;
	[sflag:s11] =	ssyncset.done $0x0  }
0x27: {  	s18 =	sadd.s32 $0x13900, s17;
	[sflag:s11] =	ssyncadd.s32 $0xFFFFC000  }
0x28: {  	[tilespmem:s14], [sflag:$0x1] =	stream.indirect.gather [hbm4b:s4+s13], $0x80, s18, s13, $0xb8;
	[tilespmem:$0x1C800] =	vst v63  }
0x29: {  	_ =	swait.ge [sflag:s15], $0x4000  }
0x2a: {  	[sflag:s15] =	ssyncset.done $0x0  }
0x2b: {  	s31 =	sadd.s32 $0x13980, s17;
	[sflag:s15] =	ssyncadd.s32 $0xFFFFC000  }
0x2c: {  	[spmem:s2] =	stream.indirect.scatter.add.f32 [tilespmem:s14], [sflag:$0x2], $0x80, s31, s13, $0xb8;
	[tilespmem:$0x1C800] =	vst v63  }
0x2d: {  	_ =	swait.ge [sflag:s11], $0x4000  }
0x2e: {  	s16 =	sadd.s32 $0x1, s16;
	[sflag:s11] =	ssyncset.done $0x0  }
0x2f: {  	p0 =	sne.s32 s16, s9;
	[sflag:s11] =	ssyncadd.s32 $0xFFFFC000  }
.Ltmp1:
0x30: {  	[bflag:$0x0] =	sbarrier.arrive $0xFFFF;
	(pc) =	sbr.rel @p0 .LBB2_1-.Ltmp1, $4  }
0x31: {  	[hbm:s8], [sflag:s6] =	dma.local [spmem:s10], $0x2710  }
0x32: {  	_ =	swait.ge [sflag:s11], $0x2710  }
0x33: {  	[sflag:s11] =	ssyncset.done $0x0  }
0x34: {  	[sflag:s11] =	ssyncadd.s32 $0xFFFFD8F0  }
0x35: {  	_ =	sfence.sel $0x180000  }
0x36: {  	[bflag:$0x0] =	sbarrier.arrive $0xFFFF  }
0x37: {  	p0 =	sne.s32 s0, $0x0;
	_ =	strace $0x9000004D  }
0x38: {  	s0 =	sadd.s32 @!p0 $0x100000, s1;
	[bflag:$0x2] =	sbarrier.arrive $0xFFFF  }
0x39: {  	[sflag:s0] =	ssyncadd.tile.s32 @!p0 $0x1;
	_ =	shalt  }
.Lfunc_end2:
_tile_overlayer_lowered:
.L_overlay_start_2:
0x3a: {  	(tag) =	ssettag $0x2  }
0x3b: {  	s0 =	rddreg [dreg:$0x0];
	s2 =	stileid.u32  }
0x3c: {  	s1 =	rddreg [dreg:$0x1];
	p0 =	sne.s32 s2, $0x0  }
0x3d: {  	s3 =	rddreg [dreg:$0x2];
	[bflag:$0x3] =	sbarrier.arrive $0xFFFF;
	s2 =	simm.s32 @!p0 $0x1C02  }
0x3e: {  	[timem:s3], [sflag:s2] =	dma.local @!p0 [hbm:s0], s1  }
0x3f: {  	s0 =	simm.s32 @!p0 $0x2  }
0x40: {  	_ =	swait.ge @!p0 [sflag:s0], s1  }
0x41: {  	s1 =	ssub.s32 @!p0 $0x0, s1;
	[sflag:s0] =	ssyncset.done @!p0 $0x0  }
0x42: {  	[sflag:s0] =	ssyncadd.s32 @!p0 s1  }
0x43: {  	[bflag:$0x3] =	sbarrier.arrive $0xFFFF  }
0x44: {  	_ =	shalt  }

// kernel: kernel.8.cloned.1.call-start
scs
__scs_entry_jumppad:
0x0: {  	(pc) =	sbr.rel $0x88, $3  }
0x1: {  	(tag) =	ssettag $0x0;
	lr =	simm.s32 $0x1  }
0x2: {  	[smem:$0x3F9B] =	sst lr;
	_ =	strace $0xD0000000  }
0x3: {  	_ = 	snop  }
0x4: {  	_ = 	snop  }
0x5: {  	_ = 	snop  }
0x6: {  	_ = 	snop  }
0x7: {  	_ = 	snop  }
__scs_overlays_trampoline_lowered:
0x8: {  	[smem:$0x3FAA] =	sst s0  }
0x9: {  	[smem:$0x3FAB] =	sst s1  }
0xa: {  	[smem:$0x3FAC] =	sst s2  }
0xb: {  	[smem:$0x3FAD] =	sst s3  }
0xc: {  	[smem:$0x3FAE] =	sst s4  }
0xd: {  	[smem:$0x3FAF] =	sst s5  }
0xe: {  	[smem:$0x3FB0] =	sst s6  }
0xf: {  	[smem:$0x3FB1] =	sst s7  }
0x10: {  	[smem:$0x3FB2] =	sst s8  }
0x11: {  	[smem:$0x3FB3] =	sst s9;
	s0 =	simm.s32 @!p0 $0x0  }
0x12: {  	s1 =	sld [smem:$0x3F99];
	s0 =	simm.s32 @p0 $0x1  }
0x13: {  	[smem:$0x3FB4] =	sst s0;
	s0 =	simm.s32 @!p1 $0x0  }
0x14: {  	s2 =	sld [smem:$0x3F98];
	s0 =	simm.s32 @p1 $0x1  }
0x15: {  	[smem:$0x3FB5] =	sst s0;
	s0 =	simm.s32 @!p2 $0x0  }
0x16: {  	s3 =	sld [smem:$0x3FDB];
	s0 =	simm.s32 @p2 $0x1  }
0x17: {  	s4 =	simm.s32 $0x1BF5;
	[smem:$0x3FB7] =	sst s0  }
0x18: {  	s0 =	sld [smem:$0x3F9A];
	_ =	swait.ge [sflag:s4], $0x0  }
0x19: {  	s7 =	sld [smem:$0x3F9B]  }
0x1a: {  	s8 =	sadd.s32 $0xFFFFE003, lr  }
0x1b: {  	s9 =	sadd.s32 $0xFFFFFEF7, lr;
	s5 =	simm.s32 $0xFFFFFFFF;
	p2 =	slt.u32 s8, $0xFFFFF086  }
0x1c: {  	p1 =	slt.u32 s9, $0xF7A;
	s5 =	simm.s32 @!p2 $0x0  }
0x1d: {  	s5 =	simm.s32 @p1 $0x1;
	p0 =	seq.s32 s7, s2  }
0x1e: {  	s7 =	smul.u32 @!p0 $0xF7A, s2;
	p2 =	seq.s32 @!p0 s5, $0x0  }
0x1f: {  	s9 =	smul.u32 $0xF7A, s1;
	s8 =	simm.s32 @!p0 $0x1BF5;
	p2 =	por !p2, p0  }
0x20: {  	[sflag:s8] =	ssyncset.s32 @!p0 $0xFFFFF086;
	s6 =	sadd.s32 @!p0 s3, s7;
	s7 =	simm.s32 @!p0 $0x108  }
0x21: {  	s3 =	sadd.s32 s3, s9;
	s6 =	sadd.s32 @!p0 $0x88, s6;
	s7 =	simm.s32 @p2 $0x1082  }
0x22: {  	[simem:s7], [sflag:s8] =	dma.local @!p0 [hbm:s6], $0xF7A  }
0x23: {  	s9 =	sor.u32 $0xD0000000, s2;
	s6 =	simm.s32 $0x108;
	_ =	swait.ge @!p0 [sflag:s8], $0x0  }
0x24: {  	s3 =	sadd.s32 $0x88, s3;
	s6 =	simm.s32 @!p1 $0x1082;
	[sflag:s4] =	ssyncset.s32 $0xFFFFF086  }
0x25: {  	[simem:s6], [sflag:s4] =	dma.local [hbm:s3], $0xF7A  }
0x26: {  	[smem:$0x3F9B] =	sst s1;
	(tag) =	ssettag s2;
	_ =	strace s9  }
0x27: {  	s1 =	sld [smem:$0x3FAB]  }
0x28: {  	s2 =	sld [smem:$0x3FAC]  }
0x29: {  	s4 =	sld [smem:$0x3FAE]  }
0x2a: {  	p0 =	seq.s32 s5, $0x0;
	s5 =	sld [smem:$0x3FAF]  }
0x2b: {  	s6 =	sld [smem:$0x3FB0]  }
0x2c: {  	s7 =	sld [smem:$0x3FB1]  }
0x2d: {  	s3 =	simm.s32 $0x108;
	s8 =	sld [smem:$0x3FB2]  }
0x2e: {  	s3 =	simm.s32 @!p0 $0x1082;
	s9 =	sld [smem:$0x3FB3]  }
0x2f: {  	lr =	sadd.s32 s0, s3;
	s0 =	sld [smem:$0x3FAA]  }
0x30: {  	s3 =	sld [smem:$0x3FAD]  }
0x31: {  	[smem:$0x3FB6] =	sst s10  }
0x32: {  	s10 =	sld [smem:$0x3FB4];
	_ =	sdelay $0x3  }
0x33: {  	p0 =	seq.s32 s10, $0x1;
	s10 =	sld [smem:$0x3FB6];
	_ =	sdelay $0x3  }
0x34: {  	[smem:$0x3FB6] =	sst s10  }
0x35: {  	s10 =	sld [smem:$0x3FB5];
	_ =	sdelay $0x3  }
0x36: {  	p1 =	seq.s32 s10, $0x1;
	s10 =	sld [smem:$0x3FB6];
	_ =	sdelay $0x3  }
0x37: {  	[smem:$0x3FB6] =	sst s10  }
0x38: {  	s10 =	sld [smem:$0x3FB7]  }
0x39: {  	_ = 	snop;
	(pc) =	sbr.ind lr, $3  }
0x3a: {  	_ = 	snop  }
0x3b: {  	_ = 	snop  }
0x3c: {  	p2 =	seq.s32 s10, $0x1;
	s10 =	sld [smem:$0x3FB6]  }
0x3d: {  	_ =	shalt  }
0x3e: {  	_ =	shalt  }
0x3f: {  	_ =	shalt  }
0x40: {  	_ =	shalt  }
0x41: {  	_ =	shalt  }
0x42: {  	_ =	shalt  }
0x43: {  	_ =	shalt  }
0x44: {  	_ =	shalt  }
0x45: {  	_ =	shalt  }
0x46: {  	_ =	shalt  }
0x47: {  	_ =	shalt  }
0x48: {  	_ =	shalt  }
0x49: {  	_ =	shalt  }
0x4a: {  	_ =	shalt  }
0x4b: {  	_ =	shalt  }
0x4c: {  	_ =	shalt  }
0x4d: {  	_ =	shalt  }
0x4e: {  	_ =	shalt  }
0x4f: {  	_ =	shalt  }
0x50: {  	_ =	shalt  }
0x51: {  	_ =	shalt  }
0x52: {  	_ =	shalt  }
0x53: {  	_ =	shalt  }
0x54: {  	_ =	shalt  }
0x55: {  	_ =	shalt  }
0x56: {  	_ =	shalt  }
0x57: {  	_ =	shalt  }
0x58: {  	_ =	shalt  }
0x59: {  	_ =	shalt  }
0x5a: {  	_ =	shalt  }
0x5b: {  	_ =	shalt  }
0x5c: {  	_ =	shalt  }
0x5d: {  	_ =	shalt  }
0x5e: {  	_ =	shalt  }
0x5f: {  	_ =	shalt  }
0x60: {  	_ =	shalt  }
0x61: {  	_ =	shalt  }
0x62: {  	_ =	shalt  }
0x63: {  	_ =	shalt  }
0x64: {  	_ =	shalt  }
0x65: {  	_ =	shalt  }
0x66: {  	_ =	shalt  }
0x67: {  	_ =	shalt  }
0x68: {  	_ =	shalt  }
0x69: {  	_ =	shalt  }
0x6a: {  	_ =	shalt  }
0x6b: {  	_ =	shalt  }
0x6c: {  	_ =	shalt  }
0x6d: {  	_ =	shalt  }
0x6e: {  	_ =	shalt  }
0x6f: {  	_ =	shalt  }
0x70: {  	_ =	shalt  }
0x71: {  	_ =	shalt  }
0x72: {  	_ =	shalt  }
0x73: {  	_ =	shalt  }
0x74: {  	_ =	shalt  }
0x75: {  	_ =	shalt  }
0x76: {  	_ =	shalt  }
0x77: {  	_ =	shalt  }
0x78: {  	_ =	shalt  }
0x79: {  	_ =	shalt  }
0x7a: {  	_ =	shalt  }
0x7b: {  	_ =	shalt  }
0x7c: {  	_ =	shalt  }
0x7d: {  	_ =	shalt  }
0x7e: {  	_ =	shalt  }
0x7f: {  	_ =	shalt  }
0x80: {  	_ =	shalt  }
0x81: {  	_ =	shalt  }
0x82: {  	_ =	shalt  }
0x83: {  	_ =	shalt  }
0x84: {  	_ =	shalt  }
0x85: {  	_ =	shalt  }
0x86: {  	_ =	shalt  }
0x87: {  	_ =	shalt  }
.Lfunc_end0:
.L_simem_size_0:
called_computation_lowered:
.L_overlay_start_0:
0x88: {  	s2 =	sld [smem:$0x3FD9]  }
0x89: {  	s3 =	sld [smem:$0x3FFE];
	_ =	sdelay $0x1  }
0x8a: {  	s1 =	srdreg.scid  }
0x8b: {  	s0 =	sand.u32 $0x1, s1  }
0x8c: {  	s17 =	sshll.u32 s0, $0xA;
	s2 =	sadd.s32 s3, s2  }
0x8d: {  	s2 =	sadd.s32 s2, s17  }
0x8e: {  	[smem:$0x3FC2] =	sst s2  }
0x8f: {  	_ = 	snop  }
0x90: {  	s2 =	sld [smem:$0x3FD0];
	(tm) =	ssettm $0x1  }
0x91: {  	s18 =	sld [smem:$0x3FFB];
	_ =	sdelay $0x3  }
0x92: {  	_ =	strace s18  }
0x93: {  	s3 =	sld [smem:$0x3FFC];
	_ =	sdelay $0x3  }
0x94: {  	_ =	strace s3  }
0x95: {  	s3 =	sld [smem:$0x3FFD];
	_ =	sdelay $0x3  }
0x96: {  	_ =	strace s3  }
0x97: {  	_ =	strace $0x8FFFFFFF  }
0x98: {  	s19 =	sld [smem:$0x3FDB];
	_ =	sdelay $0x1  }
0x99: {  	s4 =	simm.s32 $_scs_section_size  }
0x9a: {  	s5 =	simm.s32 $_size__tile_overlayer_lowered;
	s6 =	simm.s32 $_tile_overlayer_lowered  }
0x9b: {  	s22 =	simm.s32 $0x1BFF;
	s21 =	sshll.u32 s6, $0x1;
	s3 =	sadd.s32 s4, s19  }
0x9c: {  	s7 =	simm.s32 $0x0;
	s20 =	sshll.u32 s5, $0x1;
	s5 =	sadd.s32 s21, s3  }
0x9d: {  	[timem:s7], [sflag:s22] =	dma.local [hbm:s5], s20  }
0x9e: {  	_ =	swait.ge [sflag:s22], s20  }
0x9f: {  	s4 =	ssub.s32 $0x0, s20;
	[sflag:s22] =	ssyncset.done $0x0  }
0xa0: {  	[sflag:s22] =	ssyncadd.s32 s4;
	_ =	sdelay $0x1  }
0xa1: {  	s23 =	simm.s32 $0x1B8B  }
0xa2: {  	_ =	swait.ge [sflag:s23], $0x1  }
0xa3: {  	[sflag:s23] =	ssyncset.done $0x0  }
0xa4: {  	s25 =	simm.s32 $0x1B8E;
	s24 =	sld [smem:$0x3FFE];
	[sflag:s23] =	ssyncadd.s32 $0xFFFFFFFF  }
0xa5: {  	s26 =	simm.s32 $execute0_lowered;
	[smem:$0x3FD2] =	sst s25  }
0xa6: {  	s5 =	sshll.u32 s26, $0x1;
	_ =	strace $0x80000046;
	[dreg:$0x1] =	wrdreg $0xFFFFFFFF  }
0xa7: {  	s28 =	simm.s32 $_size_execute0_lowered;
	s3 =	sadd.s32 s3, s5;
	[dreg:$0x0] =	wrdreg $0x0  }
0xa8: {  	s5 =	sshll.u32 s28, $0x1;
	[dreg:$0x2] =	wrdreg s3  }
0xa9: {  	[dreg:$0x3] =	wrdreg s5  }
0xaa: {  	[dreg:$0x4] =	wrdreg $0xC0  }
0xab: {  	_ =	task [dreg:s7], $0x5FFFF  }
0xac: {  	[dreg:$0x1] =	wrdreg $0xFFFFFFFF  }
0xad: {  	[dreg:$0x0] =	wrdreg $0x60  }
0xae: {  	[dreg:$0x2] =	wrdreg s2  }
0xaf: {  	[dreg:$0x3] =	wrdreg s24  }
0xb0: {  	[dreg:$0x4] =	wrdreg $0x0  }
0xb1: {  	[dreg:$0x5] =	wrdreg $0x9  }
0xb2: {  	_ =	task.clear_ibuf [dreg:s7], $0x6FFFF;
	_ =	strace $0x90000046  }
0xb3: {  	s29 =	simm.s32 $0x9;
	_ =	strace $0x80000048  }
0xb4: {  	_ =	swait.ge [sflag:s29], $0x1  }
0xb5: {  	[sflag:s29] =	ssyncadd.s32 $0xFFFFFFFF  }
0xb6: {  	_ =	strace $0x90000048  }
0xb7: {  	_ =	sfence  }
0xb8: {  	s30 =	sld [smem:$0x0];
	_ =	sdelay $0x2  }
0xb9: {  	s31 =	sshll.u32 s1, $0xD;
	s1 =	sshrl.u32 s1, $0x2  }
0xba: {  	s3 =	sand.u32 $0x4000, s31;
	s1 =	sadd.s32 s1, s30  }
0xbb: {  	s0 =	sor.u32 s3, s0;
	s1 =	sshll.u32 s1, $0x11  }
0xbc: {  	s0 =	sor.u32 s1, s0  }
0xbd: {  	s0 =	sadd.s32 $0x8F2B, s0  }
0xbe: {  	[sflag:s0] =	ssyncadd.remote.s32 $0x1  }
0xbf: {  	_ =	sfence.sel $0xFFFF  }
0xc0: {  	[dreg:$0x0] =	wrdreg $0xFFFFFFFF;
	(pc) =	sbr.abs _section_cstart, $3  }
0xc1: {  	[dreg:$0x1] =	wrdreg $0xFFFFFFFF  }
0xc2: {  	_ =	task.clear_ibuf [dreg:s7], $0x2FFFF;
	_ =	strace $0x9FFFFFFF  }
0xc3: {  	(tm) =	ssettm $0x7FFFFFFF  }
tec
execute0_lowered:
.L_overlay_start_1:
0x0: {  	(tag) =	ssettag $0x1  }
0x1: {  	s2 =	rddreg [dreg:$0x0]  }
0x2: {  	s6 =	rddreg [dreg:$0x1]  }
0x3: {  	s0 =	srdreg.scid;
	s3 =	rddreg [dreg:$0x2];
	s4 =	simm.s32 $0x0  }
0x4: {  	s12 =	simm.s32 $0x13900;
	s13 =	simm.s32 $0x80;
	s14 =	simm.s32 $0x18800  }
0x5: {  	s15 =	simm.s32 $0x1;
	s5 =	sand.u32 $0x1, s0;
	s0 =	stileid.u32  }
0x6: {  	s16 =	simm.s32 $0x0;
	[smem:$0x7FF] =	sst s4;
	s8 =	smul.u32 $0x13C000, s5  }
0x7: {  	s1 =	sshll.u32 s5, $0x4;
	s9 =	smul.u32 $0x13C00, s0;
	s28 =	ssub.s32 $0x2, s5  }
0x8: {  	s10 =	smul.u32 $0x4E200, s0;
	s5 =	sadd.s32 $0x16800, s6;
	s1 =	sor.u32 s0, s1  }
0x9: {  	s31 =	sshll.u32 s0, $0x6;
	s29 =	sshrl.u32 s28, $0x1;
	s7 =	smul.u32 $0x9E0, s1  }
0xa: {  	s1 =	rddreg [dreg:$0x3];
	_ =	strace $0x80000047;
	s8 =	sadd.s32 s9, s8  }
0xb: {  	s9 =	ssub.s32 s28, s29;
	s30 =	sshrl.u32 s10, $0x2;
	s8 =	sshrl.u32 s8, $0x3  }
0xc: {  	s11 =	sadd.s32 s30, s3;
	s9 =	smax.u32 s9, $0x1;
	s7 =	sadd.s32 s7, s6  }
0xd: {  	s8 =	sadd.s32 s8, s6;
	s6 =	sor.u32 $0x1C02, s31;
	s10 =	sshrl.u32 s11, $0x3  }
0xe: {  	s11 =	simm.s32 $0x2;
	s7 =	sadd.s32 $0x2C00, s7;
	s8 =	sadd.s32 $0x19000, s8  }
.LBB2_1:
0xf: {  	[spmem:s10], [sflag:s6] =	dma.local [hbm:s5], $0x2710  }
0x10: {  	_ =	swait.ge [sflag:s11], $0x2710  }
0x11: {  	[sflag:s11] =	ssyncset.done $0x0  }
0x12: {  	[sflag:s11] =	ssyncadd.s32 $0xFFFFD8F0  }
0x13: {  	[tilespmem:s12], [sflag:$0x2] =	stream.linear.gather [hbm4b:s7+s4], $0x4F00, $0x38;
	[tilespmem:$0x1C800] =	vst v63  }
0x14: {  	_ =	swait.ge [sflag:s11], $0x4F00  }
0x15: {  	[sflag:s11] =	ssyncset.done $0x0  }
0x16: {  	[sflag:s11] =	ssyncadd.s32 $0xFFFFB100  }
0x17: {  	s17 =	simm.s32 $0x13900;
	[bflag:$0x0] =	sbarrier.arrive $0xFFFF  }
0x18: {  	[tilespmem:s14], [sflag:$0x1] =	stream.indirect.gather [hbm4b:s2+s13], $0x80, s17, s13, $0xb8;
	[tilespmem:$0x1C800] =	vst v63  }
0x19: {  	_ =	swait.ge [sflag:s15], $0x4000  }
0x1a: {  	[sflag:s15] =	ssyncset.done $0x0  }
0x1b: {  	s31 =	simm.s32 $0x13980;
	[sflag:s15] =	ssyncadd.s32 $0xFFFFC000  }
0x1c: {  	[spmem:s3] =	stream.indirect.scatter.add.f32 [tilespmem:s14], [sflag:$0x2], $0x80, s31, s13, $0xb8;
	[tilespmem:$0x1C800] =	vst v63  }
0x1d: {  	_ =	swait.ge [sflag:s11], $0x4000  }
0x1e: {  	s18 =	simm.s32 $0x800;
	s17 =	simm.s32 $0x100;
	[sflag:s11] =	ssyncset.done $0x0  }
.LBB2_2:
0x1f: {  	s19 =	sadd.s32 $0x13900, s17  }
0x20: {  	[sflag:s11] =	ssyncadd.s32 $0xFFFFC000;
	s20 =	smov.u32 s18;
	s21 =	sadd.s32 $0x400, s18  }
0x21: {  	[tilespmem:s14], [sflag:$0x1] =	stream.indirect.gather [hbm4b:s2+s13], $0x80, s19, s13, $0xb8;
	[tilespmem:$0x1C800] =	vst v63  }
0x22: {  	p0 =	sne.s32 s18, $0x13800;
	_ =	swait.ge [sflag:s15], $0x4000  }
.Ltmp0:
0x23: {  	[sflag:s15] =	ssyncset.done $0x0;
	(pc) =	sbr.rel @p0 .LBB2_2-.Ltmp0, $4  }
0x24: {  	s17 =	sadd.s32 $0x13980, s17;
	[sflag:s15] =	ssyncadd.s32 $0xFFFFC000  }
0x25: {  	[spmem:s3] =	stream.indirect.scatter.add.f32 [tilespmem:s14], [sflag:$0x2], $0x80, s17, s13, $0xb8;
	[tilespmem:$0x1C800] =	vst v63  }
0x26: {  	_ =	swait.ge [sflag:s11], $0x4000  }
0x27: {  	s18 =	smov.u32 s21;
	s17 =	sshra.s32 s20, $0x2;
	[sflag:s11] =	ssyncset.done $0x0  }
0x28: {  	s18 =	sadd.s32 $0x13900, s17;
	[sflag:s11] =	ssyncadd.s32 $0xFFFFC000  }
0x29: {  	[tilespmem:s14], [sflag:$0x1] =	stream.indirect.gather [hbm4b:s2+s13], $0x80, s18, s13, $0xb8;
	[tilespmem:$0x1C800] =	vst v63  }
0x2a: {  	_ =	swait.ge [sflag:s15], $0x4000  }
0x2b: {  	[sflag:s15] =	ssyncset.done $0x0  }
0x2c: {  	s31 =	sadd.s32 $0x13980, s17;
	[sflag:s15] =	ssyncadd.s32 $0xFFFFC000  }
0x2d: {  	[spmem:s3] =	stream.indirect.scatter.add.f32 [tilespmem:s14], [sflag:$0x2], $0x80, s31, s13, $0xb8;
	[tilespmem:$0x1C800] =	vst v63  }
0x2e: {  	_ =	swait.ge [sflag:s11], $0x4000  }
0x2f: {  	s16 =	sadd.s32 $0x1, s16;
	[sflag:s11] =	ssyncset.done $0x0  }
0x30: {  	p0 =	sne.s32 s16, s9;
	[sflag:s11] =	ssyncadd.s32 $0xFFFFC000  }
.Ltmp1:
0x31: {  	[bflag:$0x0] =	sbarrier.arrive $0xFFFF;
	(pc) =	sbr.rel @p0 .LBB2_1-.Ltmp1, $4  }
0x32: {  	[hbm:s8], [sflag:s6] =	dma.local [spmem:s10], $0x2710  }
0x33: {  	_ =	swait.ge [sflag:s11], $0x2710  }
0x34: {  	[sflag:s11] =	ssyncset.done $0x0  }
0x35: {  	[sflag:s11] =	ssyncadd.s32 $0xFFFFD8F0  }
0x36: {  	_ =	sfence.sel $0x180000  }
0x37: {  	[bflag:$0x0] =	sbarrier.arrive $0xFFFF  }
0x38: {  	p0 =	sne.s32 s0, $0x0;
	_ =	strace $0x90000047  }
0x39: {  	s0 =	sadd.s32 @!p0 $0x100000, s1;
	[bflag:$0x2] =	sbarrier.arrive $0xFFFF  }
0x3a: {  	[sflag:s0] =	ssyncadd.tile.s32 @!p0 $0x1;
	_ =	shalt  }
.Lfunc_end2:
_tile_overlayer_lowered:
.L_overlay_start_2:
0x3b: {  	(tag) =	ssettag $0x2  }
0x3c: {  	s0 =	rddreg [dreg:$0x0];
	s2 =	stileid.u32  }
0x3d: {  	s1 =	rddreg [dreg:$0x1];
	p0 =	sne.s32 s2, $0x0  }
0x3e: {  	s3 =	rddreg [dreg:$0x2];
	[bflag:$0x3] =	sbarrier.arrive $0xFFFF;
	s2 =	simm.s32 @!p0 $0x1C02  }
0x3f: {  	[timem:s3], [sflag:s2] =	dma.local @!p0 [hbm:s0], s1  }
0x40: {  	s0 =	simm.s32 @!p0 $0x2  }
0x41: {  	_ =	swait.ge @!p0 [sflag:s0], s1  }
0x42: {  	s1 =	ssub.s32 @!p0 $0x0, s1;
	[sflag:s0] =	ssyncset.done @!p0 $0x0  }
0x43: {  	[sflag:s0] =	ssyncadd.s32 @!p0 s1  }
0x44: {  	[bflag:$0x3] =	sbarrier.arrive $0xFFFF  }
0x45: {  	_ =	shalt  }

</sc_bundles>
